<compile_context>
chip_gen: v7x
topology: tpu7x:2x2x1
jax: 0.10.2.dev20260603
libtpu: 0.0.44.dev20260713+nightly
codegen_flags: <defaults>
</compile_context>

<pallas_src>
import functools

import jax
import jax.numpy as jnp
from jax import lax
from jax.experimental import pallas as pl
from jax.experimental.pallas import tpu as pltpu
from jax.experimental.pallas import tpu_sc as plsc

N_SAMPLED = 1024
N_REGION = 32
B = 2
N = 8192
_NROW = 64
_SROW = 8

T_RAD = 0.04000000283122063
BIGF = 3.0e38

NQ = B * N_SAMPLED
_HALF = N // 2
_BOFF = N + 16
_CANDSZ = _BOFF + _HALF + 16
NWORK = 32
QPW = NQ // NWORK




def _fps_kernel(xyzT_ref, xyzr_ref, selidx_ref, selxyz_ref):
    iota_n = (
        lax.broadcasted_iota(jnp.int32, (_NROW, 128), 0) * 128
        + lax.broadcasted_iota(jnp.int32, (_NROW, 128), 1)
    )
    iota_s = (
        lax.broadcasted_iota(jnp.int32, (_SROW, 128), 0) * 128
        + lax.broadcasted_iota(jnp.int32, (_SROW, 128), 1)
    )
    x = [[xyzT_ref[b, c] for c in range(3)] for b in range(B)]

    def body(i, state):
        min_d2, far, sel, sxz = state
        new_md, new_far, new_sel, new_sxz = [], [], [], []
        for b in range(B):
            far_b = far[b]
            sel_b = jnp.where(iota_s == i, far_b, sel[b])
            cvec = xyzr_ref[b, pl.ds(far_b, 1), :]
            d2 = None
            sxz_b = []
            for c in range(3):
                cc = cvec[0:1, c : c + 1]
                sxz_b.append(jnp.where(iota_s == i, cc, sxz[b][c]))
                dc = x[b][c] - cc
                sq = dc * dc
                d2 = sq if d2 is None else d2 + sq
            md = jnp.minimum(min_d2[b], d2)
            mv, iv = md, iota_n
            k = _NROW // 2
            while k >= 1:
                av, ai = mv[0:k], iv[0:k]
                bv, bi = mv[k : 2 * k], iv[k : 2 * k]
                take = bv > av
                mv = jnp.where(take, bv, av)
                iv = jnp.where(take, bi, ai)
                k //= 2
            m = jnp.max(mv)
            cand = jnp.where(mv == m, iv, N)
            new_far.append(jnp.min(cand))
            new_md.append(md)
            new_sel.append(sel_b)
            new_sxz.append(sxz_b)
        return (new_md, new_far, new_sel, new_sxz)

    min_d2 = [jnp.full((_NROW, 128), 1e10, dtype=jnp.float32) for _ in range(B)]
    far = [jnp.zeros((), dtype=jnp.int32) for _ in range(B)]
    sel = [jnp.zeros((_SROW, 128), dtype=jnp.int32) for _ in range(B)]
    sxz = [[jnp.zeros((_SROW, 128), dtype=jnp.float32) for _ in range(3)] for _ in range(B)]
    _, _, sel, sxz = lax.fori_loop(0, N_SAMPLED, body, (min_d2, far, sel, sxz))
    for b in range(B):
        selidx_ref[b] = sel[b]
        for c in range(3):
            selxyz_ref[b, c] = sxz[b][c]


def _fps(xyzT4, xyz):
    sel, sxz = pl.pallas_call(
        _fps_kernel,
        out_shape=(
            jax.ShapeDtypeStruct((B, _SROW, 128), jnp.int32),
            jax.ShapeDtypeStruct((B, 3, _SROW, 128), jnp.float32),
        ),
    )(xyzT4, xyz)
    return sel.reshape(B, N_SAMPLED), sxz.reshape(B, 3, N_SAMPLED)




def _a_kernel(pf_ref, w1_ref, a_ref):
    a_ref[...] = pf_ref[...] @ w1_ref[...]


def _a_mm(pf, W1p):
    rows = pf.shape[0]
    blk = 2048
    return pl.pallas_call(
        _a_kernel,
        grid=(rows // blk,),
        in_specs=[
            pl.BlockSpec((blk, 67), lambda i: (i, 0)),
            pl.BlockSpec((67, 128), lambda i: (0, 0)),
        ],
        out_specs=pl.BlockSpec((blk, 128), lambda i: (i, 0)),
        out_shape=jax.ShapeDtypeStruct((rows, 128), jnp.float32),
    )(pf, W1p)



_BQ = 256
_BP = 1024


def _d2_kernel(sel_ref, xyzT_ref, out_ref):
    q = sel_ref[0]
    p = xyzT_ref[0]
    d2 = None
    for c in range(3):
        dc = q[:, c : c + 1] - p[c : c + 1, :]
        sq = dc * dc
        d2 = sq if d2 is None else d2 + sq
    out_ref[0] = d2


def _d2mat(sel_xyz, xyzT):
    return pl.pallas_call(
        _d2_kernel,
        grid=(B, N_SAMPLED // _BQ, N // _BP),
        in_specs=[
            pl.BlockSpec((1, _BQ, 3), lambda b, i, j: (b, i, 0)),
            pl.BlockSpec((1, 3, _BP), lambda b, i, j: (b, 0, j)),
        ],
        out_specs=pl.BlockSpec((1, _BQ, _BP), lambda b, i, j: (b, i, j)),
        out_shape=jax.ShapeDtypeStruct((B, N_SAMPLED, N), jnp.float32),
    )(sel_xyz, xyzT)




def _merge16(ad, ai, bd, bi):
    rd = lax.rev(bd, (0,))
    ri = lax.rev(bi, (0,))
    m = ad <= rd
    lod = jnp.where(m, ad, rd)
    loi = jnp.where(m, ai, ri)
    hid = jnp.where(m, rd, ad)
    hii = jnp.where(m, ri, ai)
    lod, loi = plsc.sort_key_val(lod, loi)
    hid, hii = plsc.sort_key_val(hid, hii)
    return lod, loi, hid, hii


def _sc_body(d2_hbm, selidx_hbm, a_hbm, out_hbm, rowbuf, candd, candi, selbuf, idxbuf, hbuf, sem):
    cid = lax.axis_index("c")
    sid = lax.axis_index("s")
    wid = sid * 2 + cid
    pltpu.sync_copy(selidx_hbm, selbuf.at[pl.ds(0, NQ)])
    iota = lax.iota(jnp.int32, 16)
    zeros16 = jnp.zeros((16,), jnp.int32)
    infv = jnp.full((16,), BIGF, jnp.float32)

    def qloop(j, carry):
        q = wid * QPW + j
        pltpu.sync_copy(d2_hbm.at[q], rowbuf)
        sv = selbuf[pl.ds(q, 16)]
        selfv = zeros16 + sv[0]

        def cbody(v, carry):
            ca, cb = carry
            for u in range(2):
                off = (2 * v + u) * 16
                dv = rowbuf[pl.ds(off, 16)]
                mask = dv <= T_RAD
                plsc.store_compressed(candd.at[pl.ds(ca, 16)], dv, mask=mask)
                plsc.store_compressed(candi.at[pl.ds(ca, 16)], iota + off, mask=mask)
                ca = ca + plsc.all_reduce_population_count(mask)[0]
                offb = _HALF + off
                dv2 = rowbuf[pl.ds(offb, 16)]
                mask2 = dv2 <= T_RAD
                plsc.store_compressed(candd.at[pl.ds(_BOFF + cb, 16)], dv2, mask=mask2)
                plsc.store_compressed(candi.at[pl.ds(_BOFF + cb, 16)], iota + offb, mask=mask2)
                cb = cb + plsc.all_reduce_population_count(mask2)[0]
            return (ca, cb)

        zero = jnp.zeros((), jnp.int32)
        ca, cb = lax.fori_loop(0, N // 64, cbody, (zero, zero))

        def sbody(k, carry):
            candd[pl.ds(ca + k * 16, 16)] = candd[pl.ds(_BOFF + k * 16, 16)]
            candi[pl.ds(ca + k * 16, 16)] = candi[pl.ds(_BOFF + k * 16, 16)]
            return carry

        lax.fori_loop(0, (cb + 15) // 16, sbody, 0)
        cnt = ca + cb
        cntv = zeros16 + cnt

        def load_vreg(v):
            cd = candd[pl.ds(v * 16, 16)]
            ci = candi[pl.ds(v * 16, 16)]
            lanei = iota + v * 16
            valid = lanei < cntv
            cd = jnp.where(valid, cd, infv)
            ci = jnp.where(valid, ci, selfv)
            return cd, ci

        def sel_fn():
            c0d, c0i = load_vreg(0)
            c1d, c1i = load_vreg(1)
            s0d, s0i = plsc.sort_key_val(c0d, c0i)
            s1d, s1i = plsc.sort_key_val(c1d, c1i)
            b0d, b0i, b1d, b1i = _merge16(s0d, s0i, s1d, s1i)

            def mbody(v, st):
                b0d, b0i, b1d, b1i = st
                cd, ci = load_vreg(v)
                sd, si = plsc.sort_key_val(cd, ci)
                lo1d, lo1i, hi1d, hi1i = _merge16(b1d, b1i, sd, si)
                b0d, b0i, hi2d, hi2i = _merge16(b0d, b0i, lo1d, lo1i)
                b1d, b1i, _, _ = _merge16(hi2d, hi2i, hi1d, hi1i)
                return (b0d, b0i, b1d, b1i)

            nv = (cnt + 15) // 16
            b0d, b0i, b1d, b1i = lax.fori_loop(2, nv, mbody, (b0d, b0i, b1d, b1i))
            return b0i, b1i

        def nosel_fn():
            _, c0i = load_vreg(0)
            _, c1i = load_vreg(1)
            return c0i, c1i

        b0i, b1i = lax.cond(cnt > N_REGION, sel_fn, nosel_fn)
        boff = (q // N_SAMPLED) * N
        idxbuf[0:16] = b0i + boff
        idxbuf[16:32] = b1i + boff
        pltpu.async_copy(a_hbm.at[idxbuf], hbuf, sem).wait()
        pltpu.sync_copy(hbuf, out_hbm.at[q])
        return carry

    lax.fori_loop(0, QPW, qloop, 0)


def _sel_gather(d2_flat, selidx_flat, a_flat):
    mesh = plsc.VectorSubcoreMesh(core_axis_name="c", subcore_axis_name="s")
    f = functools.partial(
        pl.kernel,
        mesh=mesh,
        compiler_params=pltpu.CompilerParams(needs_layout_passes=False),
        out_type=jax.ShapeDtypeStruct((NQ, N_REGION, 128), jnp.float32),
        scratch_types=[
            pltpu.VMEM((N,), jnp.float32),
            pltpu.VMEM((_CANDSZ,), jnp.float32),
            pltpu.VMEM((_CANDSZ,), jnp.int32),
            pltpu.VMEM((NQ + 16,), jnp.int32),
            pltpu.VMEM((N_REGION,), jnp.int32),
            pltpu.VMEM((N_REGION, 128), jnp.float32),
            pltpu.SemaphoreType.DMA,
        ],
    )(_sc_body)
    return f(d2_flat, selidx_flat, a_flat)



_QBLK = 64


def _mlp_kernel(h_ref, sxz_ref, w1x_ref, b1_ref, w2_ref, b2_ref, w3_ref, b3_ref, out_ref):
    dq = b1_ref[...] - sxz_ref[...] @ w1x_ref[...]
    x = h_ref[...][:, :, 0:64] + dq[:, None, :]
    x = jnp.where(x >= 0, x, 0.2 * x)
    x = x.reshape(_QBLK * N_REGION, 64)
    x = x @ w2_ref[...] + b2_ref[...]
    x = jnp.where(x >= 0, x, 0.2 * x)
    x = x @ w3_ref[...] + b3_ref[...]
    x = jnp.where(x >= 0, x, 0.2 * x)
    x = x.reshape(_QBLK, N_REGION, 128)
    out_ref[...] = jnp.max(x, axis=1)


def _mlp(H, sel_flat, W1x, b1, W2, b2, W3, b3):
    return pl.pallas_call(
        _mlp_kernel,
        grid=(NQ // _QBLK,),
        in_specs=[
            pl.BlockSpec((_QBLK, N_REGION, 128), lambda i: (i, 0, 0)),
            pl.BlockSpec((_QBLK, 3), lambda i: (i, 0)),
            pl.BlockSpec((3, 64), lambda i: (0, 0)),
            pl.BlockSpec((64,), lambda i: (0,)),
            pl.BlockSpec((64, 64), lambda i: (0, 0)),
            pl.BlockSpec((64,), lambda i: (0,)),
            pl.BlockSpec((64, 128), lambda i: (0, 0)),
            pl.BlockSpec((128,), lambda i: (0,)),
        ],
        out_specs=pl.BlockSpec((_QBLK, 128), lambda i: (i, 0)),
        out_shape=jax.ShapeDtypeStruct((NQ, 128), jnp.float32),
    )(H, sel_flat, W1x, b1, W2, b2, W3, b3)


def kernel(xyz, features, W1, b1, W2, b2, W3, b3):
    xyzT = jnp.transpose(xyz, (0, 2, 1))
    sel_idx, sel_xyzT = _fps(xyzT.reshape(B, 3, _NROW, 128), xyz)
    sel_xyz = jnp.transpose(sel_xyzT, (0, 2, 1))
    pf = jnp.concatenate([xyz, features], axis=-1).reshape(B * N, 67)
    W1p = jnp.pad(W1, ((0, 0), (0, 64)))
    A = _a_mm(pf, W1p)
    d2 = _d2mat(sel_xyz, xyzT)
    H = _sel_gather(d2.reshape(NQ, N), sel_idx.reshape(NQ), A)
    sel_feat = _mlp(H, sel_xyz.reshape(NQ, 3), W1[:3], b1, W2, b2, W3, b3)
    return (sel_xyz, sel_feat.reshape(B, N_SAMPLED, 128))

# --- scband reference (transcript-rebuilt; emitter-appended) ---
"""Pipeline reference for scband-set-abstraction-75084618268930 (READ-ONLY COPY).

The authoritative reference and input builder live on the scoring server;
editing this copy changes nothing except your own understanding.
"""

import jax, jax.numpy as jnp
import numpy as np

N_SAMPLED = 1024
N_REGION = 32
RADIUS = 0.2
MLP_SIZES = (64, 64, 128)


def farthest_point_sample(n_sample, xyz):
    B, N, _ = xyz.shape

    def body(i, state):
        min_d2, idx, farthest = state
        idx = idx.at[:, i].set(farthest)
        centroid = jax.vmap(lambda p, f: p[f])(xyz, farthest)
        d2 = jnp.sum((xyz - centroid[:, None, :]) ** 2, axis=-1)
        min_d2 = jnp.minimum(min_d2, d2)
        farthest = jnp.argmax(min_d2, axis=-1).astype(jnp.int32)
        return (min_d2, idx, farthest)

    min_d2 = jnp.full((B, N), 1e10, dtype=xyz.dtype)
    idx = jnp.zeros((B, n_sample), dtype=jnp.int32)
    farthest = jnp.zeros((B,), dtype=jnp.int32)
    _, idx, _ = jax.lax.fori_loop(0, n_sample, body, (min_d2, idx, farthest))
    return idx


def knn_search(queries, points, k, radius):
    d2 = jnp.sum((queries[:, :, None, :] - points[:, None, :, :]) ** 2, axis=-1)
    neg_d2, idx = jax.lax.top_k(-d2, k)
    dist = jnp.sqrt(jnp.maximum(-neg_d2, 0.0))
    nearest_idx = idx[:, :, :1]
    nearest_dist = dist[:, :, :1]
    mask = dist > radius
    idx = jnp.where(mask, nearest_idx, idx)
    dist = jnp.where(mask, nearest_dist, dist)
    return idx, dist


def leaky_relu(x):
    return jnp.where(x >= 0, x, 0.2 * x)


def batched_gather(data, idx):
    return jax.vmap(lambda d, i: d[i])(data, idx)


def setup_inputs(seed: int = 0):
    key = jax.random.key(seed)
    k1, k2, kw = jax.random.split(key, 3)
    xyz = jax.random.uniform(k1, (2, 8192, 3), dtype=jnp.float32)
    features = jax.random.normal(k2, (2, 8192, 64), dtype=jnp.float32)
    inp = {"xyz": xyz, "features": features}
    in_dim = 3 + 64
    for li, out_dim in enumerate(MLP_SIZES):
        kw, ka = jax.random.split(kw)
        limit = float(np.sqrt(6.0 / (in_dim + out_dim)))
        inp["W%d" % (li + 1)] = jax.random.uniform(ka, (in_dim, out_dim), minval=-limit, maxval=limit, dtype=jnp.float32)
        inp["b%d" % (li + 1)] = jnp.zeros((out_dim,), dtype=jnp.float32)
        in_dim = out_dim
    return inp


def reference(xyz, features, W1, b1, W2, b2, W3, b3):
    sel_idx = farthest_point_sample(N_SAMPLED, xyz)
    sel_xyz = batched_gather(xyz, sel_idx)
    nbr_idx, _ = knn_search(sel_xyz, xyz, N_REGION, RADIUS)
    nbr_xyz = batched_gather(xyz, nbr_idx) - sel_xyz[:, :, None, :]
    nbr_feat = batched_gather(features, nbr_idx)
    h = jnp.concatenate([nbr_xyz, nbr_feat], axis=-1)
    h = leaky_relu(h @ W1 + b1)
    h = leaky_relu(h @ W2 + b2)
    h = leaky_relu(h @ W3 + b3)
    sel_feat = jnp.max(h, axis=2)
    return (sel_xyz, sel_feat)

if __name__ == "__main__":
    import jax
    _d = setup_inputs()
    print(jax.jit(kernel)(*tuple(_d.values())))

</pallas_src>

<mosaic_0001>
#map = affine_map<(d0, d1) -> (0, 0)>
#map1 = affine_map<(d0, d1) -> (0)>
#map2 = affine_map<(d0, d1) -> (0, 0, 0)>
module attributes {stable_mosaic.version = 14 : i64} {
  func.func @_sc_body(%arg0: i32, %arg1: i32, %arg2: memref<2048x8192xf32, #tpu.memory_space<hbm>>, %arg3: memref<2048xi32, #tpu.memory_space<hbm>>, %arg4: memref<16384x128xf32, #tpu.memory_space<hbm>>, %arg5: memref<2048x32x128xf32, #tpu.memory_space<hbm>>, %arg6: memref<8192xf32, #tpu.memory_space<vmem>>, %arg7: memref<12320xf32, #tpu.memory_space<vmem>>, %arg8: memref<12320xi32, #tpu.memory_space<vmem>>, %arg9: memref<2064xi32, #tpu.memory_space<vmem>>, %arg10: memref<32xi32, #tpu.memory_space<vmem>>, %arg11: memref<32x128xf32, #tpu.memory_space<vmem>>, %arg12: memref<!tpu.dma_semaphore, #tpu.memory_space<semaphore_mem>>) attributes {dimension_semantics = [#tpu.dimension_semantics<core_parallel>, #tpu.dimension_semantics<subcore_parallel>], iteration_bounds = array<i64: 2, 16>, scalar_prefetch = 0 : i64, scratch_operands = 7 : i64, tpu.core_type = #tpu.core_type<sc_vector_subcore>, window_params = [{transform_indices = #map}, {transform_indices = #map1}, {transform_indices = #map}, {transform_indices = #map2}]} {
    %mul3A = arith.constant 2 : i32
    %mul3A_0 = arith.muli %arg1, %mul3A : i32
    %add3A = arith.addi %mul3A_0, %arg0 : i32
    "tpu.region"() ({
      %run_scoped3A = tpu.sem_alloc : memref<!tpu.dma_semaphore, #tpu.memory_space<semaphore_mem>>
      %dma_start3A = arith.constant 0 : i32
      %dma_start3A_9 = tpu.memref_slice %arg9[%dma_start3A] : memref<2064xi32, #tpu.memory_space<vmem>> -> memref<2048xi32, #tpu.memory_space<vmem>>
      %dma_start3A_10 = arith.constant 0 : i32
      %dma_start3A_11 = tpu.memref_slice %arg9[%dma_start3A_10] : memref<2064xi32, #tpu.memory_space<vmem>> -> memref<2048xi32, #tpu.memory_space<vmem>>
      tpu.enqueue_dma source(%arg3 : memref<2048xi32, #tpu.memory_space<hbm>>) target(%dma_start3A_11 : memref<2048xi32, #tpu.memory_space<vmem>>) target_semaphore(%run_scoped3A : memref<!tpu.dma_semaphore, #tpu.memory_space<semaphore_mem>>)
      %dma_wait3A = arith.constant 0 : i32
      %dma_wait3A_12 = tpu.memref_slice %arg9[%dma_wait3A] : memref<2064xi32, #tpu.memory_space<vmem>> -> memref<2048xi32, #tpu.memory_space<vmem>>
      %dma_wait3A_13 = arith.constant 0 : i32
      %dma_wait3A_14 = tpu.memref_slice %arg9[%dma_wait3A_13] : memref<2064xi32, #tpu.memory_space<vmem>> -> memref<2048xi32, #tpu.memory_space<vmem>>
      tpu.wait_dma2 semaphore(%run_scoped3A : memref<!tpu.dma_semaphore, #tpu.memory_space<semaphore_mem>>) src(%arg3 : memref<2048xi32, #tpu.memory_space<hbm>>) dst(%dma_wait3A_14 : memref<2048xi32, #tpu.memory_space<vmem>>)
      tpu.yield
    }) : () -> ()
    %iota3A = tpu.iota {dimensions = array<i32: 0>} : vector<16xi32>
    %broadcast_in_dim3A = arith.constant 0 : i32
    %broadcast_in_dim3A_1 = vector.broadcast %broadcast_in_dim3A : i32 to vector<16xi32>
    %broadcast_in_dim3A_2 = arith.constant 3.000000e+38 : f32
    %broadcast_in_dim3A_3 = vector.broadcast %broadcast_in_dim3A_2 : f32 to vector<16xf32>
    %scan3A = arith.constant 0 : i32
    %scan3A_4 = arith.constant 0 : i32
    %scan3A_5 = arith.constant 64 : i32
    %scan3A_6 = arith.addi %scan3A_4, %scan3A_5 : i32
    %scan3A_7 = arith.constant 1 : i32
    scf.for %scan3A_9 = %scan3A_4 to %scan3A_6 step %scan3A_7  : i32 {
      %mul3A_10 = arith.constant 64 : i32
      %mul3A_11 = arith.muli %add3A, %mul3A_10 : i32
      %add3A_12 = arith.addi %mul3A_11, %scan3A_9 : i32
      "tpu.region"() ({
        %run_scoped3A = tpu.sem_alloc : memref<!tpu.dma_semaphore, #tpu.memory_space<semaphore_mem>>
        %dma_start3A_94 = arith.constant 0 : i32
        %dma_start3A_95 = tpu.memref_slice %arg2[%add3A_12, %dma_start3A_94] : memref<2048x8192xf32, #tpu.memory_space<hbm>> -> memref<1x8192xf32, #tpu.memory_space<hbm>>
        %dma_start3A_96 = tpu.memref_squeeze %dma_start3A_95 : memref<1x8192xf32, #tpu.memory_space<hbm>> -> memref<8192xf32, #tpu.memory_space<hbm>>
        %dma_start3A_97 = arith.constant 0 : i32
        %dma_start3A_98 = tpu.memref_slice %arg2[%add3A_12, %dma_start3A_97] : memref<2048x8192xf32, #tpu.memory_space<hbm>> -> memref<1x8192xf32, #tpu.memory_space<hbm>>
        %dma_start3A_99 = tpu.memref_squeeze %dma_start3A_98 : memref<1x8192xf32, #tpu.memory_space<hbm>> -> memref<8192xf32, #tpu.memory_space<hbm>>
        tpu.enqueue_dma source(%dma_start3A_99 : memref<8192xf32, #tpu.memory_space<hbm>>) target(%arg6 : memref<8192xf32, #tpu.memory_space<vmem>>) target_semaphore(%run_scoped3A : memref<!tpu.dma_semaphore, #tpu.memory_space<semaphore_mem>>)
        %dma_wait3A_100 = arith.constant 0 : i32
        %dma_wait3A_101 = tpu.memref_slice %arg2[%add3A_12, %dma_wait3A_100] : memref<2048x8192xf32, #tpu.memory_space<hbm>> -> memref<1x8192xf32, #tpu.memory_space<hbm>>
        %dma_wait3A_102 = tpu.memref_squeeze %dma_wait3A_101 : memref<1x8192xf32, #tpu.memory_space<hbm>> -> memref<8192xf32, #tpu.memory_space<hbm>>
        %dma_wait3A_103 = arith.constant 0 : i32
        %dma_wait3A_104 = tpu.memref_slice %arg2[%add3A_12, %dma_wait3A_103] : memref<2048x8192xf32, #tpu.memory_space<hbm>> -> memref<1x8192xf32, #tpu.memory_space<hbm>>
        %dma_wait3A_105 = tpu.memref_squeeze %dma_wait3A_104 : memref<1x8192xf32, #tpu.memory_space<hbm>> -> memref<8192xf32, #tpu.memory_space<hbm>>
        tpu.wait_dma2 semaphore(%run_scoped3A : memref<!tpu.dma_semaphore, #tpu.memory_space<semaphore_mem>>) src(%dma_wait3A_105 : memref<8192xf32, #tpu.memory_space<hbm>>) dst(%arg6 : memref<8192xf32, #tpu.memory_space<vmem>>)
        tpu.yield
      }) : () -> ()
      %get3A = arith.index_cast %add3A_12 : i32 to index
      %get3A_13 = tpu.vector_load %arg9[%get3A] {strides = array<i32>} : memref<2064xi32, #tpu.memory_space<vmem>>, vector<16xi32>,
      %slice3A = vector.extract_strided_slice %get3A_13 {offsets = [0], sizes = [1], strides = [1]} : vector<16xi32> to vector<1xi32>
      %squeeze3A = vector.extract %slice3A[0] : i32 from vector<1xi32>
      %add3A_14 = vector.broadcast %squeeze3A : i32 to vector<16xi32>
      %add3A_15 = arith.addi %broadcast_in_dim3A_1, %add3A_14 : vector<16xi32>
      %scan3A_16 = arith.constant 0 : i32
      %scan3A_17 = arith.constant 0 : i32
      %scan3A_18 = arith.constant 0 : i32
      %scan3A_19 = arith.constant 128 : i32
      %scan3A_20 = arith.addi %scan3A_18, %scan3A_19 : i32
      %scan3A_21 = arith.constant 1 : i32
      %scan3A_22:2 = scf.for %scan3A_94 = %scan3A_18 to %scan3A_20 step %scan3A_21 iter_args(%scan3A_95 = %scan3A_16, %scan3A_96 = %scan3A_17) -> (i32, i32)  : i32 {
        %mul3A_97 = arith.constant 2 : i32
        %mul3A_98 = arith.muli %mul3A_97, %scan3A_94 : i32
        %add3A_99 = arith.constant 0 : i32
        %add3A_100 = arith.addi %mul3A_98, %add3A_99 : i32
        %mul3A_101 = arith.constant 16 : i32
        %mul3A_102 = arith.muli %add3A_100, %mul3A_101 : i32
        %get3A_103 = arith.index_cast %mul3A_102 : i32 to index
        %get3A_104 = tpu.vector_load %arg6[%get3A_103] {strides = array<i32>} : memref<8192xf32, #tpu.memory_space<vmem>>, vector<16xf32>,
        %le3A = arith.constant 0.0400000028 : f32
        %le3A_105 = vector.broadcast %le3A : f32 to vector<16xf32>
        %le3A_106 = arith.cmpf ole, %get3A_104, %le3A_105 : vector<16xf32>
        %swap3A_107 = arith.index_cast %scan3A_95 : i32 to index
        %swap3A_108 = tpu.vector_load %arg7[%swap3A_107] masked %le3A_106 {strides = array<i32>} : memref<12320xf32, #tpu.memory_space<vmem>>, vector<16xf32>, vector<16xi1>
        tpu.vector_store %arg7[%swap3A_107], %get3A_104 masked %le3A_106 {strides = array<i32>} : memref<12320xf32, #tpu.memory_space<vmem>>, vector<16xf32>, vector<16xi1>
        %add3A_109 = vector.broadcast %mul3A_102 : i32 to vector<16xi32>
        %add3A_110 = arith.addi %iota3A, %add3A_109 : vector<16xi32>
        %swap3A_111 = arith.index_cast %scan3A_95 : i32 to index
        %swap3A_112 = tpu.vector_load %arg8[%swap3A_111] masked %le3A_106 {strides = array<i32>} : memref<12320xi32, #tpu.memory_space<vmem>>, vector<16xi32>, vector<16xi1>
        tpu.vector_store %arg8[%swap3A_111], %add3A_110 masked %le3A_106 {strides = array<i32>} : memref<12320xi32, #tpu.memory_space<vmem>>, vector<16xi32>, vector<16xi1>
        %all_reduce_population_count3A = tpu.all_reduce %le3A_106 {dim = 0 : i64, kind = #tpu.reduction_kind<sum>} : vector<16xi1> -> vector<16xi32>
        %slice3A_113 = vector.extract_strided_slice %all_reduce_population_count3A {offsets = [0], sizes = [1], strides = [1]} : vector<16xi32> to vector<1xi32>
        %squeeze3A_114 = vector.extract %slice3A_113[0] : i32 from vector<1xi32>
        %add3A_115 = arith.addi %scan3A_95, %squeeze3A_114 : i32
        %add3A_116 = arith.constant 4096 : i32
        %add3A_117 = arith.addi %add3A_116, %mul3A_102 : i32
        %get3A_118 = arith.index_cast %add3A_117 : i32 to index
        %get3A_119 = tpu.vector_load %arg6[%get3A_118] {strides = array<i32>} : memref<8192xf32, #tpu.memory_space<vmem>>, vector<16xf32>,
        %le3A_120 = arith.constant 0.0400000028 : f32
        %le3A_121 = vector.broadcast %le3A_120 : f32 to vector<16xf32>
        %le3A_122 = arith.cmpf ole, %get3A_119, %le3A_121 : vector<16xf32>
        %add3A_123 = arith.constant 8208 : i32
        %add3A_124 = arith.addi %add3A_123, %scan3A_96 : i32
        %swap3A_125 = arith.index_cast %add3A_124 : i32 to index
        %swap3A_126 = tpu.vector_load %arg7[%swap3A_125] masked %le3A_122 {strides = array<i32>} : memref<12320xf32, #tpu.memory_space<vmem>>, vector<16xf32>, vector<16xi1>
        tpu.vector_store %arg7[%swap3A_125], %get3A_119 masked %le3A_122 {strides = array<i32>} : memref<12320xf32, #tpu.memory_space<vmem>>, vector<16xf32>, vector<16xi1>
        %add3A_127 = arith.constant 8208 : i32
        %add3A_128 = arith.addi %add3A_127, %scan3A_96 : i32
        %add3A_129 = vector.broadcast %add3A_117 : i32 to vector<16xi32>
        %add3A_130 = arith.addi %iota3A, %add3A_129 : vector<16xi32>
        %swap3A_131 = arith.index_cast %add3A_128 : i32 to index
        %swap3A_132 = tpu.vector_load %arg8[%swap3A_131] masked %le3A_122 {strides = array<i32>} : memref<12320xi32, #tpu.memory_space<vmem>>, vector<16xi32>, vector<16xi1>
        tpu.vector_store %arg8[%swap3A_131], %add3A_130 masked %le3A_122 {strides = array<i32>} : memref<12320xi32, #tpu.memory_space<vmem>>, vector<16xi32>, vector<16xi1>
        %all_reduce_population_count3A_133 = tpu.all_reduce %le3A_122 {dim = 0 : i64, kind = #tpu.reduction_kind<sum>} : vector<16xi1> -> vector<16xi32>
        %slice3A_134 = vector.extract_strided_slice %all_reduce_population_count3A_133 {offsets = [0], sizes = [1], strides = [1]} : vector<16xi32> to vector<1xi32>
        %squeeze3A_135 = vector.extract %slice3A_134[0] : i32 from vector<1xi32>
        %add3A_136 = arith.addi %scan3A_96, %squeeze3A_135 : i32
        %mul3A_137 = arith.constant 2 : i32
        %mul3A_138 = arith.muli %mul3A_137, %scan3A_94 : i32
        %add3A_139 = arith.constant 1 : i32
        %add3A_140 = arith.addi %mul3A_138, %add3A_139 : i32
        %mul3A_141 = arith.constant 16 : i32
        %mul3A_142 = arith.muli %add3A_140, %mul3A_141 : i32
        %get3A_143 = arith.index_cast %mul3A_142 : i32 to index
        %get3A_144 = tpu.vector_load %arg6[%get3A_143] {strides = array<i32>} : memref<8192xf32, #tpu.memory_space<vmem>>, vector<16xf32>,
        %le3A_145 = arith.constant 0.0400000028 : f32
        %le3A_146 = vector.broadcast %le3A_145 : f32 to vector<16xf32>
        %le3A_147 = arith.cmpf ole, %get3A_144, %le3A_146 : vector<16xf32>
        %swap3A_148 = arith.index_cast %add3A_115 : i32 to index
        %swap3A_149 = tpu.vector_load %arg7[%swap3A_148] masked %le3A_147 {strides = array<i32>} : memref<12320xf32, #tpu.memory_space<vmem>>, vector<16xf32>, vector<16xi1>
        tpu.vector_store %arg7[%swap3A_148], %get3A_144 masked %le3A_147 {strides = array<i32>} : memref<12320xf32, #tpu.memory_space<vmem>>, vector<16xf32>, vector<16xi1>
        %add3A_150 = vector.broadcast %mul3A_142 : i32 to vector<16xi32>
        %add3A_151 = arith.addi %iota3A, %add3A_150 : vector<16xi32>
        %swap3A_152 = arith.index_cast %add3A_115 : i32 to index
        %swap3A_153 = tpu.vector_load %arg8[%swap3A_152] masked %le3A_147 {strides = array<i32>} : memref<12320xi32, #tpu.memory_space<vmem>>, vector<16xi32>, vector<16xi1>
        tpu.vector_store %arg8[%swap3A_152], %add3A_151 masked %le3A_147 {strides = array<i32>} : memref<12320xi32, #tpu.memory_space<vmem>>, vector<16xi32>, vector<16xi1>
        %all_reduce_population_count3A_154 = tpu.all_reduce %le3A_147 {dim = 0 : i64, kind = #tpu.reduction_kind<sum>} : vector<16xi1> -> vector<16xi32>
        %slice3A_155 = vector.extract_strided_slice %all_reduce_population_count3A_154 {offsets = [0], sizes = [1], strides = [1]} : vector<16xi32> to vector<1xi32>
        %squeeze3A_156 = vector.extract %slice3A_155[0] : i32 from vector<1xi32>
        %add3A_157 = arith.addi %add3A_115, %squeeze3A_156 : i32
        %add3A_158 = arith.constant 4096 : i32
        %add3A_159 = arith.addi %add3A_158, %mul3A_142 : i32
        %get3A_160 = arith.index_cast %add3A_159 : i32 to index
        %get3A_161 = tpu.vector_load %arg6[%get3A_160] {strides = array<i32>} : memref<8192xf32, #tpu.memory_space<vmem>>, vector<16xf32>,
        %le3A_162 = arith.constant 0.0400000028 : f32
        %le3A_163 = vector.broadcast %le3A_162 : f32 to vector<16xf32>
        %le3A_164 = arith.cmpf ole, %get3A_161, %le3A_163 : vector<16xf32>
        %add3A_165 = arith.constant 8208 : i32
        %add3A_166 = arith.addi %add3A_165, %add3A_136 : i32
        %swap3A_167 = arith.index_cast %add3A_166 : i32 to index
        %swap3A_168 = tpu.vector_load %arg7[%swap3A_167] masked %le3A_164 {strides = array<i32>} : memref<12320xf32, #tpu.memory_space<vmem>>, vector<16xf32>, vector<16xi1>
        tpu.vector_store %arg7[%swap3A_167], %get3A_161 masked %le3A_164 {strides = array<i32>} : memref<12320xf32, #tpu.memory_space<vmem>>, vector<16xf32>, vector<16xi1>
        %add3A_169 = arith.constant 8208 : i32
        %add3A_170 = arith.addi %add3A_169, %add3A_136 : i32
        %add3A_171 = vector.broadcast %add3A_159 : i32 to vector<16xi32>
        %add3A_172 = arith.addi %iota3A, %add3A_171 : vector<16xi32>
        %swap3A_173 = arith.index_cast %add3A_170 : i32 to index
        %swap3A_174 = tpu.vector_load %arg8[%swap3A_173] masked %le3A_164 {strides = array<i32>} : memref<12320xi32, #tpu.memory_space<vmem>>, vector<16xi32>, vector<16xi1>
        tpu.vector_store %arg8[%swap3A_173], %add3A_172 masked %le3A_164 {strides = array<i32>} : memref<12320xi32, #tpu.memory_space<vmem>>, vector<16xi32>, vector<16xi1>
        %all_reduce_population_count3A_175 = tpu.all_reduce %le3A_164 {dim = 0 : i64, kind = #tpu.reduction_kind<sum>} : vector<16xi1> -> vector<16xi32>
        %slice3A_176 = vector.extract_strided_slice %all_reduce_population_count3A_175 {offsets = [0], sizes = [1], strides = [1]} : vector<16xi32> to vector<1xi32>
        %squeeze3A_177 = vector.extract %slice3A_176[0] : i32 from vector<1xi32>
        %add3A_178 = arith.addi %add3A_136, %squeeze3A_177 : i32
        scf.yield %add3A_157, %add3A_178 : i32, i32
      }
      %scan3A_23 = arith.constant 128 : i32
      %add3A_24 = arith.constant 15 : i32
      %add3A_25 = arith.addi %scan3A_22#1, %add3A_24 : i32
      %jit3A = arith.constant 16 : i32
      %div3A = arith.divsi %add3A_25, %jit3A : i32
      %sign3A = arith.constant 0 : i32
      %sign3A_26 = arith.cmpi sgt, %add3A_25, %sign3A : i32
      %sign3A_27 = arith.extui %sign3A_26 : i1 to i32
      %sign3A_28 = arith.constant 0 : i32
      %sign3A_29 = arith.cmpi slt, %add3A_25, %sign3A_28 : i32
      %sign3A_30 = arith.extui %sign3A_29 : i1 to i32
      %sign3A_31 = arith.subi %sign3A_27, %sign3A_30 : i32
      %sign3A_32 = arith.constant 0 : i32
      %sign3A_33 = arith.cmpi sgt, %jit3A, %sign3A_32 : i32
      %sign3A_34 = arith.extui %sign3A_33 : i1 to i32
      %sign3A_35 = arith.constant 0 : i32
      %sign3A_36 = arith.cmpi slt, %jit3A, %sign3A_35 : i32
      %sign3A_37 = arith.extui %sign3A_36 : i1 to i32
      %sign3A_38 = arith.subi %sign3A_34, %sign3A_37 : i32
      %ne3A = arith.cmpi ne, %sign3A_31, %sign3A_38 : i32
      %rem3A = arith.remsi %add3A_25, %jit3A : i32
      %ne3A_39 = arith.constant 0 : i32
      %ne3A_40 = arith.cmpi ne, %rem3A, %ne3A_39 : i32
      %and3A = arith.andi %ne3A, %ne3A_40 : i1
      %sub3A = arith.constant 1 : i32
      %sub3A_41 = arith.subi %div3A, %sub3A : i32
      %select_n3A = arith.select %and3A, %sub3A_41, %div3A : i32
      %while3A = arith.constant 0 : i32
      %while3A_42 = arith.constant 0 : i32
      %while3A_43 = arith.subi %select_n3A, %while3A_42 : i32
      %while3A_44 = arith.addi %while3A_42, %while3A_43 : i32
      %while3A_45 = arith.constant 1 : i32
      %while3A_46 = arith.divsi %while3A_43, %while3A_45 : i32
      %while3A_47 = arith.muli %while3A_46, %while3A_45 : i32
      %while3A_48 = arith.addi %while3A_42, %while3A_47 : i32
      %while3A_49 = arith.constant 1 : i32
      scf.for %while3A_94 = %while3A_42 to %while3A_48 step %while3A_49  : i32 {
        %mul3A_95 = arith.constant 16 : i32
        %mul3A_96 = arith.muli %while3A_94, %mul3A_95 : i32
        %add3A_97 = arith.constant 8208 : i32
        %add3A_98 = arith.addi %add3A_97, %mul3A_96 : i32
        %get3A_99 = arith.index_cast %add3A_98 : i32 to index
        %get3A_100 = tpu.vector_load %arg7[%get3A_99] {strides = array<i32>} : memref<12320xf32, #tpu.memory_space<vmem>>, vector<16xf32>,
        %mul3A_101 = arith.constant 16 : i32
        %mul3A_102 = arith.muli %while3A_94, %mul3A_101 : i32
        %add3A_103 = arith.addi %scan3A_22#0, %mul3A_102 : i32
        %swap3A_104 = arith.index_cast %add3A_103 : i32 to index
        %swap3A_105 = tpu.vector_load %arg7[%swap3A_104] {strides = array<i32>} : memref<12320xf32, #tpu.memory_space<vmem>>, vector<16xf32>,
        tpu.vector_store %arg7[%swap3A_104], %get3A_100 {strides = array<i32>} : memref<12320xf32, #tpu.memory_space<vmem>>, vector<16xf32>,
        %mul3A_106 = arith.constant 16 : i32
        %mul3A_107 = arith.muli %while3A_94, %mul3A_106 : i32
        %add3A_108 = arith.constant 8208 : i32
        %add3A_109 = arith.addi %add3A_108, %mul3A_107 : i32
        %get3A_110 = arith.index_cast %add3A_109 : i32 to index
        %get3A_111 = tpu.vector_load %arg8[%get3A_110] {strides = array<i32>} : memref<12320xi32, #tpu.memory_space<vmem>>, vector<16xi32>,
        %mul3A_112 = arith.constant 16 : i32
        %mul3A_113 = arith.muli %while3A_94, %mul3A_112 : i32
        %add3A_114 = arith.addi %scan3A_22#0, %mul3A_113 : i32
        %swap3A_115 = arith.index_cast %add3A_114 : i32 to index
        %swap3A_116 = tpu.vector_load %arg8[%swap3A_115] {strides = array<i32>} : memref<12320xi32, #tpu.memory_space<vmem>>, vector<16xi32>,
        tpu.vector_store %arg8[%swap3A_115], %get3A_111 {strides = array<i32>} : memref<12320xi32, #tpu.memory_space<vmem>>, vector<16xi32>,
      }
      %while3A_50 = arith.constant 1 : i32
      scf.for %while3A_94 = %while3A_48 to %while3A_44 step %while3A_50  : i32 {
        %mul3A_95 = arith.constant 16 : i32
        %mul3A_96 = arith.muli %while3A_94, %mul3A_95 : i32
        %add3A_97 = arith.constant 8208 : i32
        %add3A_98 = arith.addi %add3A_97, %mul3A_96 : i32
        %get3A_99 = arith.index_cast %add3A_98 : i32 to index
        %get3A_100 = tpu.vector_load %arg7[%get3A_99] {strides = array<i32>} : memref<12320xf32, #tpu.memory_space<vmem>>, vector<16xf32>,
        %mul3A_101 = arith.constant 16 : i32
        %mul3A_102 = arith.muli %while3A_94, %mul3A_101 : i32
        %add3A_103 = arith.addi %scan3A_22#0, %mul3A_102 : i32
        %swap3A_104 = arith.index_cast %add3A_103 : i32 to index
        %swap3A_105 = tpu.vector_load %arg7[%swap3A_104] {strides = array<i32>} : memref<12320xf32, #tpu.memory_space<vmem>>, vector<16xf32>,
        tpu.vector_store %arg7[%swap3A_104], %get3A_100 {strides = array<i32>} : memref<12320xf32, #tpu.memory_space<vmem>>, vector<16xf32>,
        %mul3A_106 = arith.constant 16 : i32
        %mul3A_107 = arith.muli %while3A_94, %mul3A_106 : i32
        %add3A_108 = arith.constant 8208 : i32
        %add3A_109 = arith.addi %add3A_108, %mul3A_107 : i32
        %get3A_110 = arith.index_cast %add3A_109 : i32 to index
        %get3A_111 = tpu.vector_load %arg8[%get3A_110] {strides = array<i32>} : memref<12320xi32, #tpu.memory_space<vmem>>, vector<16xi32>,
        %mul3A_112 = arith.constant 16 : i32
        %mul3A_113 = arith.muli %while3A_94, %mul3A_112 : i32
        %add3A_114 = arith.addi %scan3A_22#0, %mul3A_113 : i32
        %swap3A_115 = arith.index_cast %add3A_114 : i32 to index
        %swap3A_116 = tpu.vector_load %arg8[%swap3A_115] {strides = array<i32>} : memref<12320xi32, #tpu.memory_space<vmem>>, vector<16xi32>,
        tpu.vector_store %arg8[%swap3A_115], %get3A_111 {strides = array<i32>} : memref<12320xi32, #tpu.memory_space<vmem>>, vector<16xi32>,
      }
      %add3A_51 = arith.addi %scan3A_22#0, %scan3A_22#1 : i32
      %add3A_52 = vector.broadcast %add3A_51 : i32 to vector<16xi32>
      %add3A_53 = arith.addi %broadcast_in_dim3A_1, %add3A_52 : vector<16xi32>
      %gt3A = arith.constant 32 : i32
      %gt3A_54 = arith.cmpi sgt, %add3A_51, %gt3A : i32
      %convert_element_type3A = arith.extui %gt3A_54 : i1 to i32
      %cond3A = arith.constant 0 : i32
      %cond3A_55 = arith.cmpi ne, %convert_element_type3A, %cond3A : i32
      %cond3A_56:2 = scf.if %cond3A_55 -> (vector<16xi32>, vector<16xi32>) {
        %get3A_94 = arith.constant 0 : index
        %get3A_95 = tpu.vector_load %arg7[%get3A_94] {strides = array<i32>} : memref<12320xf32, #tpu.memory_space<vmem>>, vector<16xf32>,
        %get3A_96 = arith.constant 0 : index
        %get3A_97 = tpu.vector_load %arg8[%get3A_96] {strides = array<i32>} : memref<12320xi32, #tpu.memory_space<vmem>>, vector<16xi32>,
        %add3A_98 = arith.constant 0 : i32
        %add3A_99 = vector.broadcast %add3A_98 : i32 to vector<16xi32>
        %add3A_100 = arith.addi %iota3A, %add3A_99 : vector<16xi32>
        %lt3A = arith.cmpi slt, %add3A_100, %add3A_53 : vector<16xi32>
        %select_n3A_101 = arith.select %lt3A, %get3A_95, %broadcast_in_dim3A_3 : vector<16xi1>, vector<16xf32>
        %select_n3A_102 = arith.select %lt3A, %get3A_97, %add3A_15 : vector<16xi1>, vector<16xi32>
        %get3A_103 = arith.constant 16 : index
        %get3A_104 = tpu.vector_load %arg7[%get3A_103] {strides = array<i32>} : memref<12320xf32, #tpu.memory_space<vmem>>, vector<16xf32>,
        %get3A_105 = arith.constant 16 : index
        %get3A_106 = tpu.vector_load %arg8[%get3A_105] {strides = array<i32>} : memref<12320xi32, #tpu.memory_space<vmem>>, vector<16xi32>,
        %add3A_107 = arith.constant 16 : i32
        %add3A_108 = vector.broadcast %add3A_107 : i32 to vector<16xi32>
        %add3A_109 = arith.addi %iota3A, %add3A_108 : vector<16xi32>
        %lt3A_110 = arith.cmpi slt, %add3A_109, %add3A_53 : vector<16xi32>
        %select_n3A_111 = arith.select %lt3A_110, %get3A_104, %broadcast_in_dim3A_3 : vector<16xi1>, vector<16xf32>
        %select_n3A_112 = arith.select %lt3A_110, %get3A_106, %add3A_15 : vector<16xi1>, vector<16xi32>
        %masked_sort3A = arith.constant dense<true> : vector<16xi1>
        %masked_sort3A_113, %masked_sort3A_114, %masked_sort3A_115 = tpu.sort %select_n3A_101, %select_n3A_102 masked %masked_sort3A : (vector<16xf32>, vector<16xi32>, vector<16xi1>) -> (vector<16xi1>, vector<16xf32>, vector<16xi32>)
        %masked_sort3A_116 = arith.constant dense<true> : vector<16xi1>
        %masked_sort3A_117, %masked_sort3A_118, %masked_sort3A_119 = tpu.sort %select_n3A_111, %select_n3A_112 masked %masked_sort3A_116 : (vector<16xf32>, vector<16xi32>, vector<16xi1>) -> (vector<16xi1>, vector<16xf32>, vector<16xi32>)
        %rev3A = arith.constant 15 : i32
        %rev3A_120 = vector.broadcast %rev3A : i32 to vector<16xi32>
        %rev3A_121 = tpu.iota {dimensions = array<i32: 0>} : vector<16xi32>
        %rev3A_122 = arith.subi %rev3A_120, %rev3A_121 : vector<16xi32>
        %rev3A_123 = tpu.dynamic_gather %masked_sort3A_118[%rev3A_122] in [0] : vector<16xf32>, vector<16xi32> -> vector<16xf32>
        %rev3A_124 = arith.constant 15 : i32
        %rev3A_125 = vector.broadcast %rev3A_124 : i32 to vector<16xi32>
        %rev3A_126 = tpu.iota {dimensions = array<i32: 0>} : vector<16xi32>
        %rev3A_127 = arith.subi %rev3A_125, %rev3A_126 : vector<16xi32>
        %rev3A_128 = tpu.dynamic_gather %masked_sort3A_119[%rev3A_127] in [0] : vector<16xi32>, vector<16xi32> -> vector<16xi32>
        %le3A = arith.cmpf ole, %masked_sort3A_114, %rev3A_123 : vector<16xf32>
        %select_n3A_129 = arith.select %le3A, %masked_sort3A_114, %rev3A_123 : vector<16xi1>, vector<16xf32>
        %select_n3A_130 = arith.select %le3A, %masked_sort3A_115, %rev3A_128 : vector<16xi1>, vector<16xi32>
        %select_n3A_131 = arith.select %le3A, %rev3A_123, %masked_sort3A_114 : vector<16xi1>, vector<16xf32>
        %select_n3A_132 = arith.select %le3A, %rev3A_128, %masked_sort3A_115 : vector<16xi1>, vector<16xi32>
        %masked_sort3A_133 = arith.constant dense<true> : vector<16xi1>
        %masked_sort3A_134, %masked_sort3A_135, %masked_sort3A_136 = tpu.sort %select_n3A_129, %select_n3A_130 masked %masked_sort3A_133 : (vector<16xf32>, vector<16xi32>, vector<16xi1>) -> (vector<16xi1>, vector<16xf32>, vector<16xi32>)
        %masked_sort3A_137 = arith.constant dense<true> : vector<16xi1>
        %masked_sort3A_138, %masked_sort3A_139, %masked_sort3A_140 = tpu.sort %select_n3A_131, %select_n3A_132 masked %masked_sort3A_137 : (vector<16xf32>, vector<16xi32>, vector<16xi1>) -> (vector<16xi1>, vector<16xf32>, vector<16xi32>)
        %add3A_141 = arith.constant 15 : i32
        %add3A_142 = arith.addi %add3A_51, %add3A_141 : i32
        %jit3A_143 = arith.constant 16 : i32
        %div3A_144 = arith.divsi %add3A_142, %jit3A_143 : i32
        %sign3A_145 = arith.constant 0 : i32
        %sign3A_146 = arith.cmpi sgt, %add3A_142, %sign3A_145 : i32
        %sign3A_147 = arith.extui %sign3A_146 : i1 to i32
        %sign3A_148 = arith.constant 0 : i32
        %sign3A_149 = arith.cmpi slt, %add3A_142, %sign3A_148 : i32
        %sign3A_150 = arith.extui %sign3A_149 : i1 to i32
        %sign3A_151 = arith.subi %sign3A_147, %sign3A_150 : i32
        %sign3A_152 = arith.constant 0 : i32
        %sign3A_153 = arith.cmpi sgt, %jit3A_143, %sign3A_152 : i32
        %sign3A_154 = arith.extui %sign3A_153 : i1 to i32
        %sign3A_155 = arith.constant 0 : i32
        %sign3A_156 = arith.cmpi slt, %jit3A_143, %sign3A_155 : i32
        %sign3A_157 = arith.extui %sign3A_156 : i1 to i32
        %sign3A_158 = arith.subi %sign3A_154, %sign3A_157 : i32
        %ne3A_159 = arith.cmpi ne, %sign3A_151, %sign3A_158 : i32
        %rem3A_160 = arith.remsi %add3A_142, %jit3A_143 : i32
        %ne3A_161 = arith.constant 0 : i32
        %ne3A_162 = arith.cmpi ne, %rem3A_160, %ne3A_161 : i32
        %and3A_163 = arith.andi %ne3A_159, %ne3A_162 : i1
        %sub3A_164 = arith.constant 1 : i32
        %sub3A_165 = arith.subi %div3A_144, %sub3A_164 : i32
        %select_n3A_166 = arith.select %and3A_163, %sub3A_165, %div3A_144 : i32
        %while3A_167 = arith.constant 2 : i32
        %while3A_168 = arith.subi %select_n3A_166, %while3A_167 : i32
        %while3A_169 = arith.addi %while3A_167, %while3A_168 : i32
        %while3A_170 = arith.constant 1 : i32
        %while3A_171 = arith.divsi %while3A_168, %while3A_170 : i32
        %while3A_172 = arith.muli %while3A_171, %while3A_170 : i32
        %while3A_173 = arith.addi %while3A_167, %while3A_172 : i32
        %while3A_174 = arith.constant 1 : i32
        %while3A_175:4 = scf.for %while3A_178 = %while3A_167 to %while3A_173 step %while3A_174 iter_args(%while3A_179 = %masked_sort3A_135, %while3A_180 = %masked_sort3A_136, %while3A_181 = %masked_sort3A_139, %while3A_182 = %masked_sort3A_140) -> (vector<16xf32>, vector<16xi32>, vector<16xf32>, vector<16xi32>)  : i32 {
          %mul3A_183 = arith.constant 16 : i32
          %mul3A_184 = arith.muli %while3A_178, %mul3A_183 : i32
          %get3A_185 = arith.index_cast %mul3A_184 : i32 to index
          %get3A_186 = tpu.vector_load %arg7[%get3A_185] {strides = array<i32>} : memref<12320xf32, #tpu.memory_space<vmem>>, vector<16xf32>,
          %mul3A_187 = arith.constant 16 : i32
          %mul3A_188 = arith.muli %while3A_178, %mul3A_187 : i32
          %get3A_189 = arith.index_cast %mul3A_188 : i32 to index
          %get3A_190 = tpu.vector_load %arg8[%get3A_189] {strides = array<i32>} : memref<12320xi32, #tpu.memory_space<vmem>>, vector<16xi32>,
          %mul3A_191 = arith.constant 16 : i32
          %mul3A_192 = arith.muli %while3A_178, %mul3A_191 : i32
          %add3A_193 = vector.broadcast %mul3A_192 : i32 to vector<16xi32>
          %add3A_194 = arith.addi %iota3A, %add3A_193 : vector<16xi32>
          %lt3A_195 = arith.cmpi slt, %add3A_194, %add3A_53 : vector<16xi32>
          %select_n3A_196 = arith.select %lt3A_195, %get3A_186, %broadcast_in_dim3A_3 : vector<16xi1>, vector<16xf32>
          %select_n3A_197 = arith.select %lt3A_195, %get3A_190, %add3A_15 : vector<16xi1>, vector<16xi32>
          %masked_sort3A_198 = arith.constant dense<true> : vector<16xi1>
          %masked_sort3A_199, %masked_sort3A_200, %masked_sort3A_201 = tpu.sort %select_n3A_196, %select_n3A_197 masked %masked_sort3A_198 : (vector<16xf32>, vector<16xi32>, vector<16xi1>) -> (vector<16xi1>, vector<16xf32>, vector<16xi32>)
          %rev3A_202 = arith.constant 15 : i32
          %rev3A_203 = vector.broadcast %rev3A_202 : i32 to vector<16xi32>
          %rev3A_204 = tpu.iota {dimensions = array<i32: 0>} : vector<16xi32>
          %rev3A_205 = arith.subi %rev3A_203, %rev3A_204 : vector<16xi32>
          %rev3A_206 = tpu.dynamic_gather %masked_sort3A_200[%rev3A_205] in [0] : vector<16xf32>, vector<16xi32> -> vector<16xf32>
          %rev3A_207 = arith.constant 15 : i32
          %rev3A_208 = vector.broadcast %rev3A_207 : i32 to vector<16xi32>
          %rev3A_209 = tpu.iota {dimensions = array<i32: 0>} : vector<16xi32>
          %rev3A_210 = arith.subi %rev3A_208, %rev3A_209 : vector<16xi32>
          %rev3A_211 = tpu.dynamic_gather %masked_sort3A_201[%rev3A_210] in [0] : vector<16xi32>, vector<16xi32> -> vector<16xi32>
          %le3A_212 = arith.cmpf ole, %while3A_181, %rev3A_206 : vector<16xf32>
          %select_n3A_213 = arith.select %le3A_212, %while3A_181, %rev3A_206 : vector<16xi1>, vector<16xf32>
          %select_n3A_214 = arith.select %le3A_212, %while3A_182, %rev3A_211 : vector<16xi1>, vector<16xi32>
          %select_n3A_215 = arith.select %le3A_212, %rev3A_206, %while3A_181 : vector<16xi1>, vector<16xf32>
          %select_n3A_216 = arith.select %le3A_212, %rev3A_211, %while3A_182 : vector<16xi1>, vector<16xi32>
          %masked_sort3A_217 = arith.constant dense<true> : vector<16xi1>
          %masked_sort3A_218, %masked_sort3A_219, %masked_sort3A_220 = tpu.sort %select_n3A_213, %select_n3A_214 masked %masked_sort3A_217 : (vector<16xf32>, vector<16xi32>, vector<16xi1>) -> (vector<16xi1>, vector<16xf32>, vector<16xi32>)
          %masked_sort3A_221 = arith.constant dense<true> : vector<16xi1>
          %masked_sort3A_222, %masked_sort3A_223, %masked_sort3A_224 = tpu.sort %select_n3A_215, %select_n3A_216 masked %masked_sort3A_221 : (vector<16xf32>, vector<16xi32>, vector<16xi1>) -> (vector<16xi1>, vector<16xf32>, vector<16xi32>)
          %rev3A_225 = arith.constant 15 : i32
          %rev3A_226 = vector.broadcast %rev3A_225 : i32 to vector<16xi32>
          %rev3A_227 = tpu.iota {dimensions = array<i32: 0>} : vector<16xi32>
          %rev3A_228 = arith.subi %rev3A_226, %rev3A_227 : vector<16xi32>
          %rev3A_229 = tpu.dynamic_gather %masked_sort3A_219[%rev3A_228] in [0] : vector<16xf32>, vector<16xi32> -> vector<16xf32>
          %rev3A_230 = arith.constant 15 : i32
          %rev3A_231 = vector.broadcast %rev3A_230 : i32 to vector<16xi32>
          %rev3A_232 = tpu.iota {dimensions = array<i32: 0>} : vector<16xi32>
          %rev3A_233 = arith.subi %rev3A_231, %rev3A_232 : vector<16xi32>
          %rev3A_234 = tpu.dynamic_gather %masked_sort3A_220[%rev3A_233] in [0] : vector<16xi32>, vector<16xi32> -> vector<16xi32>
          %le3A_235 = arith.cmpf ole, %while3A_179, %rev3A_229 : vector<16xf32>
          %select_n3A_236 = arith.select %le3A_235, %while3A_179, %rev3A_229 : vector<16xi1>, vector<16xf32>
          %select_n3A_237 = arith.select %le3A_235, %while3A_180, %rev3A_234 : vector<16xi1>, vector<16xi32>
          %select_n3A_238 = arith.select %le3A_235, %rev3A_229, %while3A_179 : vector<16xi1>, vector<16xf32>
          %select_n3A_239 = arith.select %le3A_235, %rev3A_234, %while3A_180 : vector<16xi1>, vector<16xi32>
          %masked_sort3A_240 = arith.constant dense<true> : vector<16xi1>
          %masked_sort3A_241, %masked_sort3A_242, %masked_sort3A_243 = tpu.sort %select_n3A_236, %select_n3A_237 masked %masked_sort3A_240 : (vector<16xf32>, vector<16xi32>, vector<16xi1>) -> (vector<16xi1>, vector<16xf32>, vector<16xi32>)
          %masked_sort3A_244 = arith.constant dense<true> : vector<16xi1>
          %masked_sort3A_245, %masked_sort3A_246, %masked_sort3A_247 = tpu.sort %select_n3A_238, %select_n3A_239 masked %masked_sort3A_244 : (vector<16xf32>, vector<16xi32>, vector<16xi1>) -> (vector<16xi1>, vector<16xf32>, vector<16xi32>)
          %rev3A_248 = arith.constant 15 : i32
          %rev3A_249 = vector.broadcast %rev3A_248 : i32 to vector<16xi32>
          %rev3A_250 = tpu.iota {dimensions = array<i32: 0>} : vector<16xi32>
          %rev3A_251 = arith.subi %rev3A_249, %rev3A_250 : vector<16xi32>
          %rev3A_252 = tpu.dynamic_gather %masked_sort3A_223[%rev3A_251] in [0] : vector<16xf32>, vector<16xi32> -> vector<16xf32>
          %rev3A_253 = arith.constant 15 : i32
          %rev3A_254 = vector.broadcast %rev3A_253 : i32 to vector<16xi32>
          %rev3A_255 = tpu.iota {dimensions = array<i32: 0>} : vector<16xi32>
          %rev3A_256 = arith.subi %rev3A_254, %rev3A_255 : vector<16xi32>
          %rev3A_257 = tpu.dynamic_gather %masked_sort3A_224[%rev3A_256] in [0] : vector<16xi32>, vector<16xi32> -> vector<16xi32>
          %le3A_258 = arith.cmpf ole, %masked_sort3A_246, %rev3A_252 : vector<16xf32>
          %select_n3A_259 = arith.select %le3A_258, %masked_sort3A_246, %rev3A_252 : vector<16xi1>, vector<16xf32>
          %select_n3A_260 = arith.select %le3A_258, %masked_sort3A_247, %rev3A_257 : vector<16xi1>, vector<16xi32>
          %select_n3A_261 = arith.select %le3A_258, %rev3A_252, %masked_sort3A_246 : vector<16xi1>, vector<16xf32>
          %select_n3A_262 = arith.select %le3A_258, %rev3A_257, %masked_sort3A_247 : vector<16xi1>, vector<16xi32>
          %masked_sort3A_263 = arith.constant dense<true> : vector<16xi1>
          %masked_sort3A_264, %masked_sort3A_265, %masked_sort3A_266 = tpu.sort %select_n3A_259, %select_n3A_260 masked %masked_sort3A_263 : (vector<16xf32>, vector<16xi32>, vector<16xi1>) -> (vector<16xi1>, vector<16xf32>, vector<16xi32>)
          %masked_sort3A_267 = arith.constant dense<true> : vector<16xi1>
          %masked_sort3A_268, %masked_sort3A_269, %masked_sort3A_270 = tpu.sort %select_n3A_261, %select_n3A_262 masked %masked_sort3A_267 : (vector<16xf32>, vector<16xi32>, vector<16xi1>) -> (vector<16xi1>, vector<16xf32>, vector<16xi32>)
          scf.yield %masked_sort3A_242, %masked_sort3A_243, %masked_sort3A_265, %masked_sort3A_266 : vector<16xf32>, vector<16xi32>, vector<16xf32>, vector<16xi32>
        }
        %while3A_176 = arith.constant 1 : i32
        %while3A_177:4 = scf.for %while3A_178 = %while3A_173 to %while3A_169 step %while3A_176 iter_args(%while3A_179 = %while3A_175#0, %while3A_180 = %while3A_175#1, %while3A_181 = %while3A_175#2, %while3A_182 = %while3A_175#3) -> (vector<16xf32>, vector<16xi32>, vector<16xf32>, vector<16xi32>)  : i32 {
          %mul3A_183 = arith.constant 16 : i32
          %mul3A_184 = arith.muli %while3A_178, %mul3A_183 : i32
          %get3A_185 = arith.index_cast %mul3A_184 : i32 to index
          %get3A_186 = tpu.vector_load %arg7[%get3A_185] {strides = array<i32>} : memref<12320xf32, #tpu.memory_space<vmem>>, vector<16xf32>,
          %mul3A_187 = arith.constant 16 : i32
          %mul3A_188 = arith.muli %while3A_178, %mul3A_187 : i32
          %get3A_189 = arith.index_cast %mul3A_188 : i32 to index
          %get3A_190 = tpu.vector_load %arg8[%get3A_189] {strides = array<i32>} : memref<12320xi32, #tpu.memory_space<vmem>>, vector<16xi32>,
          %mul3A_191 = arith.constant 16 : i32
          %mul3A_192 = arith.muli %while3A_178, %mul3A_191 : i32
          %add3A_193 = vector.broadcast %mul3A_192 : i32 to vector<16xi32>
          %add3A_194 = arith.addi %iota3A, %add3A_193 : vector<16xi32>
          %lt3A_195 = arith.cmpi slt, %add3A_194, %add3A_53 : vector<16xi32>
          %select_n3A_196 = arith.select %lt3A_195, %get3A_186, %broadcast_in_dim3A_3 : vector<16xi1>, vector<16xf32>
          %select_n3A_197 = arith.select %lt3A_195, %get3A_190, %add3A_15 : vector<16xi1>, vector<16xi32>
          %masked_sort3A_198 = arith.constant dense<true> : vector<16xi1>
          %masked_sort3A_199, %masked_sort3A_200, %masked_sort3A_201 = tpu.sort %select_n3A_196, %select_n3A_197 masked %masked_sort3A_198 : (vector<16xf32>, vector<16xi32>, vector<16xi1>) -> (vector<16xi1>, vector<16xf32>, vector<16xi32>)
          %rev3A_202 = arith.constant 15 : i32
          %rev3A_203 = vector.broadcast %rev3A_202 : i32 to vector<16xi32>
          %rev3A_204 = tpu.iota {dimensions = array<i32: 0>} : vector<16xi32>
          %rev3A_205 = arith.subi %rev3A_203, %rev3A_204 : vector<16xi32>
          %rev3A_206 = tpu.dynamic_gather %masked_sort3A_200[%rev3A_205] in [0] : vector<16xf32>, vector<16xi32> -> vector<16xf32>
          %rev3A_207 = arith.constant 15 : i32
          %rev3A_208 = vector.broadcast %rev3A_207 : i32 to vector<16xi32>
          %rev3A_209 = tpu.iota {dimensions = array<i32: 0>} : vector<16xi32>
          %rev3A_210 = arith.subi %rev3A_208, %rev3A_209 : vector<16xi32>
          %rev3A_211 = tpu.dynamic_gather %masked_sort3A_201[%rev3A_210] in [0] : vector<16xi32>, vector<16xi32> -> vector<16xi32>
          %le3A_212 = arith.cmpf ole, %while3A_181, %rev3A_206 : vector<16xf32>
          %select_n3A_213 = arith.select %le3A_212, %while3A_181, %rev3A_206 : vector<16xi1>, vector<16xf32>
          %select_n3A_214 = arith.select %le3A_212, %while3A_182, %rev3A_211 : vector<16xi1>, vector<16xi32>
          %select_n3A_215 = arith.select %le3A_212, %rev3A_206, %while3A_181 : vector<16xi1>, vector<16xf32>
          %select_n3A_216 = arith.select %le3A_212, %rev3A_211, %while3A_182 : vector<16xi1>, vector<16xi32>
          %masked_sort3A_217 = arith.constant dense<true> : vector<16xi1>
          %masked_sort3A_218, %masked_sort3A_219, %masked_sort3A_220 = tpu.sort %select_n3A_213, %select_n3A_214 masked %masked_sort3A_217 : (vector<16xf32>, vector<16xi32>, vector<16xi1>) -> (vector<16xi1>, vector<16xf32>, vector<16xi32>)
          %masked_sort3A_221 = arith.constant dense<true> : vector<16xi1>
          %masked_sort3A_222, %masked_sort3A_223, %masked_sort3A_224 = tpu.sort %select_n3A_215, %select_n3A_216 masked %masked_sort3A_221 : (vector<16xf32>, vector<16xi32>, vector<16xi1>) -> (vector<16xi1>, vector<16xf32>, vector<16xi32>)
          %rev3A_225 = arith.constant 15 : i32
          %rev3A_226 = vector.broadcast %rev3A_225 : i32 to vector<16xi32>
          %rev3A_227 = tpu.iota {dimensions = array<i32: 0>} : vector<16xi32>
          %rev3A_228 = arith.subi %rev3A_226, %rev3A_227 : vector<16xi32>
          %rev3A_229 = tpu.dynamic_gather %masked_sort3A_219[%rev3A_228] in [0] : vector<16xf32>, vector<16xi32> -> vector<16xf32>
          %rev3A_230 = arith.constant 15 : i32
          %rev3A_231 = vector.broadcast %rev3A_230 : i32 to vector<16xi32>
          %rev3A_232 = tpu.iota {dimensions = array<i32: 0>} : vector<16xi32>
          %rev3A_233 = arith.subi %rev3A_231, %rev3A_232 : vector<16xi32>
          %rev3A_234 = tpu.dynamic_gather %masked_sort3A_220[%rev3A_233] in [0] : vector<16xi32>, vector<16xi32> -> vector<16xi32>
          %le3A_235 = arith.cmpf ole, %while3A_179, %rev3A_229 : vector<16xf32>
          %select_n3A_236 = arith.select %le3A_235, %while3A_179, %rev3A_229 : vector<16xi1>, vector<16xf32>
          %select_n3A_237 = arith.select %le3A_235, %while3A_180, %rev3A_234 : vector<16xi1>, vector<16xi32>
          %select_n3A_238 = arith.select %le3A_235, %rev3A_229, %while3A_179 : vector<16xi1>, vector<16xf32>
          %select_n3A_239 = arith.select %le3A_235, %rev3A_234, %while3A_180 : vector<16xi1>, vector<16xi32>
          %masked_sort3A_240 = arith.constant dense<true> : vector<16xi1>
          %masked_sort3A_241, %masked_sort3A_242, %masked_sort3A_243 = tpu.sort %select_n3A_236, %select_n3A_237 masked %masked_sort3A_240 : (vector<16xf32>, vector<16xi32>, vector<16xi1>) -> (vector<16xi1>, vector<16xf32>, vector<16xi32>)
          %masked_sort3A_244 = arith.constant dense<true> : vector<16xi1>
          %masked_sort3A_245, %masked_sort3A_246, %masked_sort3A_247 = tpu.sort %select_n3A_238, %select_n3A_239 masked %masked_sort3A_244 : (vector<16xf32>, vector<16xi32>, vector<16xi1>) -> (vector<16xi1>, vector<16xf32>, vector<16xi32>)
          %rev3A_248 = arith.constant 15 : i32
          %rev3A_249 = vector.broadcast %rev3A_248 : i32 to vector<16xi32>
          %rev3A_250 = tpu.iota {dimensions = array<i32: 0>} : vector<16xi32>
          %rev3A_251 = arith.subi %rev3A_249, %rev3A_250 : vector<16xi32>
          %rev3A_252 = tpu.dynamic_gather %masked_sort3A_223[%rev3A_251] in [0] : vector<16xf32>, vector<16xi32> -> vector<16xf32>
          %rev3A_253 = arith.constant 15 : i32
          %rev3A_254 = vector.broadcast %rev3A_253 : i32 to vector<16xi32>
          %rev3A_255 = tpu.iota {dimensions = array<i32: 0>} : vector<16xi32>
          %rev3A_256 = arith.subi %rev3A_254, %rev3A_255 : vector<16xi32>
          %rev3A_257 = tpu.dynamic_gather %masked_sort3A_224[%rev3A_256] in [0] : vector<16xi32>, vector<16xi32> -> vector<16xi32>
          %le3A_258 = arith.cmpf ole, %masked_sort3A_246, %rev3A_252 : vector<16xf32>
          %select_n3A_259 = arith.select %le3A_258, %masked_sort3A_246, %rev3A_252 : vector<16xi1>, vector<16xf32>
          %select_n3A_260 = arith.select %le3A_258, %masked_sort3A_247, %rev3A_257 : vector<16xi1>, vector<16xi32>
          %select_n3A_261 = arith.select %le3A_258, %rev3A_252, %masked_sort3A_246 : vector<16xi1>, vector<16xf32>
          %select_n3A_262 = arith.select %le3A_258, %rev3A_257, %masked_sort3A_247 : vector<16xi1>, vector<16xi32>
          %masked_sort3A_263 = arith.constant dense<true> : vector<16xi1>
          %masked_sort3A_264, %masked_sort3A_265, %masked_sort3A_266 = tpu.sort %select_n3A_259, %select_n3A_260 masked %masked_sort3A_263 : (vector<16xf32>, vector<16xi32>, vector<16xi1>) -> (vector<16xi1>, vector<16xf32>, vector<16xi32>)
          %masked_sort3A_267 = arith.constant dense<true> : vector<16xi1>
          %masked_sort3A_268, %masked_sort3A_269, %masked_sort3A_270 = tpu.sort %select_n3A_261, %select_n3A_262 masked %masked_sort3A_267 : (vector<16xf32>, vector<16xi32>, vector<16xi1>) -> (vector<16xi1>, vector<16xf32>, vector<16xi32>)
          scf.yield %masked_sort3A_242, %masked_sort3A_243, %masked_sort3A_265, %masked_sort3A_266 : vector<16xf32>, vector<16xi32>, vector<16xf32>, vector<16xi32>
        }
        scf.yield %while3A_177#1, %while3A_177#3 : vector<16xi32>, vector<16xi32>
      } else {
        %get3A_94 = arith.constant 0 : index
        %get3A_95 = tpu.vector_load %arg7[%get3A_94] {strides = array<i32>} : memref<12320xf32, #tpu.memory_space<vmem>>, vector<16xf32>,
        %get3A_96 = arith.constant 0 : index
        %get3A_97 = tpu.vector_load %arg8[%get3A_96] {strides = array<i32>} : memref<12320xi32, #tpu.memory_space<vmem>>, vector<16xi32>,
        %add3A_98 = arith.constant 0 : i32
        %add3A_99 = vector.broadcast %add3A_98 : i32 to vector<16xi32>
        %add3A_100 = arith.addi %iota3A, %add3A_99 : vector<16xi32>
        %lt3A = arith.cmpi slt, %add3A_100, %add3A_53 : vector<16xi32>
        %select_n3A_101 = arith.select %lt3A, %get3A_95, %broadcast_in_dim3A_3 : vector<16xi1>, vector<16xf32>
        %select_n3A_102 = arith.select %lt3A, %get3A_97, %add3A_15 : vector<16xi1>, vector<16xi32>
        %get3A_103 = arith.constant 16 : index
        %get3A_104 = tpu.vector_load %arg7[%get3A_103] {strides = array<i32>} : memref<12320xf32, #tpu.memory_space<vmem>>, vector<16xf32>,
        %get3A_105 = arith.constant 16 : index
        %get3A_106 = tpu.vector_load %arg8[%get3A_105] {strides = array<i32>} : memref<12320xi32, #tpu.memory_space<vmem>>, vector<16xi32>,
        %add3A_107 = arith.constant 16 : i32
        %add3A_108 = vector.broadcast %add3A_107 : i32 to vector<16xi32>
        %add3A_109 = arith.addi %iota3A, %add3A_108 : vector<16xi32>
        %lt3A_110 = arith.cmpi slt, %add3A_109, %add3A_53 : vector<16xi32>
        %select_n3A_111 = arith.select %lt3A_110, %get3A_104, %broadcast_in_dim3A_3 : vector<16xi1>, vector<16xf32>
        %select_n3A_112 = arith.select %lt3A_110, %get3A_106, %add3A_15 : vector<16xi1>, vector<16xi32>
        scf.yield %select_n3A_102, %select_n3A_112 : vector<16xi32>, vector<16xi32>
      }
      %jit3A_57 = arith.constant 1024 : i32
      %div3A_58 = arith.divsi %add3A_12, %jit3A_57 : i32
      %sign3A_59 = arith.constant 0 : i32
      %sign3A_60 = arith.cmpi sgt, %add3A_12, %sign3A_59 : i32
      %sign3A_61 = arith.extui %sign3A_60 : i1 to i32
      %sign3A_62 = arith.constant 0 : i32
      %sign3A_63 = arith.cmpi slt, %add3A_12, %sign3A_62 : i32
      %sign3A_64 = arith.extui %sign3A_63 : i1 to i32
      %sign3A_65 = arith.subi %sign3A_61, %sign3A_64 : i32
      %sign3A_66 = arith.constant 0 : i32
      %sign3A_67 = arith.cmpi sgt, %jit3A_57, %sign3A_66 : i32
      %sign3A_68 = arith.extui %sign3A_67 : i1 to i32
      %sign3A_69 = arith.constant 0 : i32
      %sign3A_70 = arith.cmpi slt, %jit3A_57, %sign3A_69 : i32
      %sign3A_71 = arith.extui %sign3A_70 : i1 to i32
      %sign3A_72 = arith.subi %sign3A_68, %sign3A_71 : i32
      %ne3A_73 = arith.cmpi ne, %sign3A_65, %sign3A_72 : i32
      %rem3A_74 = arith.remsi %add3A_12, %jit3A_57 : i32
      %ne3A_75 = arith.constant 0 : i32
      %ne3A_76 = arith.cmpi ne, %rem3A_74, %ne3A_75 : i32
      %and3A_77 = arith.andi %ne3A_73, %ne3A_76 : i1
      %sub3A_78 = arith.constant 1 : i32
      %sub3A_79 = arith.subi %div3A_58, %sub3A_78 : i32
      %select_n3A_80 = arith.select %and3A_77, %sub3A_79, %div3A_58 : i32
      %mul3A_81 = arith.constant 8192 : i32
      %mul3A_82 = arith.muli %select_n3A_80, %mul3A_81 : i32
      %add3A_83 = vector.broadcast %mul3A_82 : i32 to vector<16xi32>
      %add3A_84 = arith.addi %cond3A_56#0, %add3A_83 : vector<16xi32>
      %swap3A = arith.constant 0 : index
      %swap3A_85 = tpu.vector_load %arg10[%swap3A] {strides = array<i32>} : memref<32xi32, #tpu.memory_space<vmem>>, vector<16xi32>,
      tpu.vector_store %arg10[%swap3A], %add3A_84 {strides = array<i32>} : memref<32xi32, #tpu.memory_space<vmem>>, vector<16xi32>,
      %add3A_86 = vector.broadcast %mul3A_82 : i32 to vector<16xi32>
      %add3A_87 = arith.addi %cond3A_56#1, %add3A_86 : vector<16xi32>
      %swap3A_88 = arith.constant 16 : index
      %swap3A_89 = tpu.vector_load %arg10[%swap3A_88] {strides = array<i32>} : memref<32xi32, #tpu.memory_space<vmem>>, vector<16xi32>,
      tpu.vector_store %arg10[%swap3A_88], %add3A_87 {strides = array<i32>} : memref<32xi32, #tpu.memory_space<vmem>>, vector<16xi32>,
      %dma_start3A = arith.constant 0 : i32
      %dma_start3A_90 = arith.constant 0 : i32
      %dma_start3A_91 = tpu.memref_slice %arg4[%dma_start3A, %dma_start3A_90] : memref<16384x128xf32, #tpu.memory_space<hbm>> -> memref<16384x128xf32, #tpu.memory_space<hbm>>
      tpu.enqueue_indirect_dma source(%dma_start3A_91 : memref<16384x128xf32, #tpu.memory_space<hbm>>) target(%arg11 : memref<32x128xf32, #tpu.memory_space<vmem>>) offsets(%arg10 : memref<32xi32, #tpu.memory_space<vmem>>) semaphore(%arg12 : memref<!tpu.dma_semaphore, #tpu.memory_space<semaphore_mem>>)
      %dma_wait3A = arith.constant 0 : i32
      %dma_wait3A_92 = arith.constant 0 : i32
      %dma_wait3A_93 = tpu.memref_slice %arg4[%dma_wait3A, %dma_wait3A_92] : memref<16384x128xf32, #tpu.memory_space<hbm>> -> memref<16384x128xf32, #tpu.memory_space<hbm>>
      tpu.wait_indirect_dma semaphore(%arg12 : memref<!tpu.dma_semaphore, #tpu.memory_space<semaphore_mem>>) src(%dma_wait3A_93 : memref<16384x128xf32, #tpu.memory_space<hbm>>) dst(%arg11 : memref<32x128xf32, #tpu.memory_space<vmem>>)
      "tpu.region"() ({
        %run_scoped3A = tpu.sem_alloc : memref<!tpu.dma_semaphore, #tpu.memory_space<semaphore_mem>>
        %dma_start3A_94 = arith.constant 0 : i32
        %dma_start3A_95 = arith.constant 0 : i32
        %dma_start3A_96 = tpu.memref_slice %arg5[%add3A_12, %dma_start3A_94, %dma_start3A_95] : memref<2048x32x128xf32, #tpu.memory_space<hbm>> -> memref<1x32x128xf32, #tpu.memory_space<hbm>>
        %dma_start3A_97 = tpu.memref_squeeze %dma_start3A_96 : memref<1x32x128xf32, #tpu.memory_space<hbm>> -> memref<32x128xf32, #tpu.memory_space<hbm>>
        %dma_start3A_98 = arith.constant 0 : i32
        %dma_start3A_99 = arith.constant 0 : i32
        %dma_start3A_100 = tpu.memref_slice %arg5[%add3A_12, %dma_start3A_98, %dma_start3A_99] : memref<2048x32x128xf32, #tpu.memory_space<hbm>> -> memref<1x32x128xf32, #tpu.memory_space<hbm>>
        %dma_start3A_101 = tpu.memref_squeeze %dma_start3A_100 : memref<1x32x128xf32, #tpu.memory_space<hbm>> -> memref<32x128xf32, #tpu.memory_space<hbm>>
        tpu.enqueue_dma source(%arg11 : memref<32x128xf32, #tpu.memory_space<vmem>>) target(%dma_start3A_101 : memref<32x128xf32, #tpu.memory_space<hbm>>) target_semaphore(%run_scoped3A : memref<!tpu.dma_semaphore, #tpu.memory_space<semaphore_mem>>)
        %dma_wait3A_102 = arith.constant 0 : i32
        %dma_wait3A_103 = arith.constant 0 : i32
        %dma_wait3A_104 = tpu.memref_slice %arg5[%add3A_12, %dma_wait3A_102, %dma_wait3A_103] : memref<2048x32x128xf32, #tpu.memory_space<hbm>> -> memref<1x32x128xf32, #tpu.memory_space<hbm>>
        %dma_wait3A_105 = tpu.memref_squeeze %dma_wait3A_104 : memref<1x32x128xf32, #tpu.memory_space<hbm>> -> memref<32x128xf32, #tpu.memory_space<hbm>>
        %dma_wait3A_106 = arith.constant 0 : i32
        %dma_wait3A_107 = arith.constant 0 : i32
        %dma_wait3A_108 = tpu.memref_slice %arg5[%add3A_12, %dma_wait3A_106, %dma_wait3A_107] : memref<2048x32x128xf32, #tpu.memory_space<hbm>> -> memref<1x32x128xf32, #tpu.memory_space<hbm>>
        %dma_wait3A_109 = tpu.memref_squeeze %dma_wait3A_108 : memref<1x32x128xf32, #tpu.memory_space<hbm>> -> memref<32x128xf32, #tpu.memory_space<hbm>>
        tpu.wait_dma2 semaphore(%run_scoped3A : memref<!tpu.dma_semaphore, #tpu.memory_space<semaphore_mem>>) src(%arg11 : memref<32x128xf32, #tpu.memory_space<vmem>>) dst(%dma_wait3A_109 : memref<32x128xf32, #tpu.memory_space<hbm>>)
        tpu.yield
      }) : () -> ()
    }
    %scan3A_8 = arith.constant 64 : i32
    return
  }
}

module attributes {stable_mosaic.version = 14 : i64} {
  func.func @_fps_kernel(%arg0: memref<2x3x64x128xf32, #tpu.memory_space<vmem>>, %arg1: memref<2x8192x3xf32, #tpu.memory_space<vmem>>, %arg2: memref<2x8x128xi32, #tpu.memory_space<vmem>>, %arg3: memref<2x3x8x128xf32, #tpu.memory_space<vmem>>) attributes {dimension_semantics = [], scalar_prefetch = 0 : i64, scratch_operands = 0 : i64, tpu.core_type = #tpu.core_type<tc>} {
    %iota3A = tpu.iota {dimensions = array<i32: 0>} : vector<64x128xi32>
    %mul3A = arith.constant 128 : i32
    %mul3A_0 = vector.broadcast %mul3A : i32 to vector<64x128xi32>
    %mul3A_1 = arith.muli %iota3A, %mul3A_0 : vector<64x128xi32>
    %iota3A_2 = tpu.iota {dimensions = array<i32: 1>} : vector<64x128xi32>
    %add3A = arith.addi %mul3A_1, %iota3A_2 : vector<64x128xi32>
    %iota3A_3 = tpu.iota {dimensions = array<i32: 0>} : vector<8x128xi32>
    %mul3A_4 = arith.constant 128 : i32
    %mul3A_5 = vector.broadcast %mul3A_4 : i32 to vector<8x128xi32>
    %mul3A_6 = arith.muli %iota3A_3, %mul3A_5 : vector<8x128xi32>
    %iota3A_7 = tpu.iota {dimensions = array<i32: 1>} : vector<8x128xi32>
    %add3A_8 = arith.addi %mul3A_6, %iota3A_7 : vector<8x128xi32>
    %get3A = arith.constant 0 : index
    %get3A_9 = arith.constant 0 : index
    %get3A_10 = arith.constant 0 : index
    %get3A_11 = arith.constant 0 : index
    %get3A_12 = vector.load %arg0[%get3A, %get3A_9, %get3A_10, %get3A_11] : memref<2x3x64x128xf32, #tpu.memory_space<vmem>>, vector<1x1x64x128xf32>
    %get3A_13 = vector.shape_cast %get3A_12 : vector<1x1x64x128xf32> to vector<64x128xf32>
    %get3A_14 = arith.constant 0 : index
    %get3A_15 = arith.constant 1 : index
    %get3A_16 = arith.constant 0 : index
    %get3A_17 = arith.constant 0 : index
    %get3A_18 = vector.load %arg0[%get3A_14, %get3A_15, %get3A_16, %get3A_17] : memref<2x3x64x128xf32, #tpu.memory_space<vmem>>, vector<1x1x64x128xf32>
    %get3A_19 = vector.shape_cast %get3A_18 : vector<1x1x64x128xf32> to vector<64x128xf32>
    %get3A_20 = arith.constant 0 : index
    %get3A_21 = arith.constant 2 : index
    %get3A_22 = arith.constant 0 : index
    %get3A_23 = arith.constant 0 : index
    %get3A_24 = vector.load %arg0[%get3A_20, %get3A_21, %get3A_22, %get3A_23] : memref<2x3x64x128xf32, #tpu.memory_space<vmem>>, vector<1x1x64x128xf32>
    %get3A_25 = vector.shape_cast %get3A_24 : vector<1x1x64x128xf32> to vector<64x128xf32>
    %get3A_26 = arith.constant 1 : index
    %get3A_27 = arith.constant 0 : index
    %get3A_28 = arith.constant 0 : index
    %get3A_29 = arith.constant 0 : index
    %get3A_30 = vector.load %arg0[%get3A_26, %get3A_27, %get3A_28, %get3A_29] : memref<2x3x64x128xf32, #tpu.memory_space<vmem>>, vector<1x1x64x128xf32>
    %get3A_31 = vector.shape_cast %get3A_30 : vector<1x1x64x128xf32> to vector<64x128xf32>
    %get3A_32 = arith.constant 1 : index
    %get3A_33 = arith.constant 1 : index
    %get3A_34 = arith.constant 0 : index
    %get3A_35 = arith.constant 0 : index
    %get3A_36 = vector.load %arg0[%get3A_32, %get3A_33, %get3A_34, %get3A_35] : memref<2x3x64x128xf32, #tpu.memory_space<vmem>>, vector<1x1x64x128xf32>
    %get3A_37 = vector.shape_cast %get3A_36 : vector<1x1x64x128xf32> to vector<64x128xf32>
    %get3A_38 = arith.constant 1 : index
    %get3A_39 = arith.constant 2 : index
    %get3A_40 = arith.constant 0 : index
    %get3A_41 = arith.constant 0 : index
    %get3A_42 = vector.load %arg0[%get3A_38, %get3A_39, %get3A_40, %get3A_41] : memref<2x3x64x128xf32, #tpu.memory_space<vmem>>, vector<1x1x64x128xf32>
    %get3A_43 = vector.shape_cast %get3A_42 : vector<1x1x64x128xf32> to vector<64x128xf32>
    %broadcast_in_dim3A = arith.constant 1.000000e+10 : f32
    %broadcast_in_dim3A_44 = vector.broadcast %broadcast_in_dim3A : f32 to vector<64x128xf32>
    %broadcast_in_dim3A_45 = arith.constant 1.000000e+10 : f32
    %broadcast_in_dim3A_46 = vector.broadcast %broadcast_in_dim3A_45 : f32 to vector<64x128xf32>
    %broadcast_in_dim3A_47 = arith.constant 0 : i32
    %broadcast_in_dim3A_48 = vector.broadcast %broadcast_in_dim3A_47 : i32 to vector<8x128xi32>
    %broadcast_in_dim3A_49 = arith.constant 0 : i32
    %broadcast_in_dim3A_50 = vector.broadcast %broadcast_in_dim3A_49 : i32 to vector<8x128xi32>
    %broadcast_in_dim3A_51 = arith.constant 0.000000e+00 : f32
    %broadcast_in_dim3A_52 = vector.broadcast %broadcast_in_dim3A_51 : f32 to vector<8x128xf32>
    %broadcast_in_dim3A_53 = arith.constant 0.000000e+00 : f32
    %broadcast_in_dim3A_54 = vector.broadcast %broadcast_in_dim3A_53 : f32 to vector<8x128xf32>
    %broadcast_in_dim3A_55 = arith.constant 0.000000e+00 : f32
    %broadcast_in_dim3A_56 = vector.broadcast %broadcast_in_dim3A_55 : f32 to vector<8x128xf32>
    %broadcast_in_dim3A_57 = arith.constant 0.000000e+00 : f32
    %broadcast_in_dim3A_58 = vector.broadcast %broadcast_in_dim3A_57 : f32 to vector<8x128xf32>
    %broadcast_in_dim3A_59 = arith.constant 0.000000e+00 : f32
    %broadcast_in_dim3A_60 = vector.broadcast %broadcast_in_dim3A_59 : f32 to vector<8x128xf32>
    %broadcast_in_dim3A_61 = arith.constant 0.000000e+00 : f32
    %broadcast_in_dim3A_62 = vector.broadcast %broadcast_in_dim3A_61 : f32 to vector<8x128xf32>
    %scan3A = arith.constant 0 : i32
    %scan3A_63 = arith.constant 0 : i32
    %scan3A_64 = arith.constant 0 : i32
    %scan3A_65 = arith.constant 1024 : i32
    %scan3A_66 = arith.addi %scan3A_64, %scan3A_65 : i32
    %scan3A_67 = arith.constant 1 : i32
    %scan3A_68:12 = scf.for %scan3A_123 = %scan3A_64 to %scan3A_66 step %scan3A_67 iter_args(%scan3A_124 = %broadcast_in_dim3A_44, %scan3A_125 = %broadcast_in_dim3A_46, %scan3A_126 = %scan3A, %scan3A_127 = %scan3A_63, %scan3A_128 = %broadcast_in_dim3A_48, %scan3A_129 = %broadcast_in_dim3A_50, %scan3A_130 = %broadcast_in_dim3A_52, %scan3A_131 = %broadcast_in_dim3A_54, %scan3A_132 = %broadcast_in_dim3A_56, %scan3A_133 = %broadcast_in_dim3A_58, %scan3A_134 = %broadcast_in_dim3A_60, %scan3A_135 = %broadcast_in_dim3A_62) -> (vector<64x128xf32>, vector<64x128xf32>, i32, i32, vector<8x128xi32>, vector<8x128xi32>, vector<8x128xf32>, vector<8x128xf32>, vector<8x128xf32>, vector<8x128xf32>, vector<8x128xf32>, vector<8x128xf32>)  : i32 {
      %eq3A = vector.broadcast %scan3A_123 : i32 to vector<8x128xi32>
      %eq3A_136 = arith.cmpi eq, %add3A_8, %eq3A : vector<8x128xi32>
      %broadcast_in_dim3A_137 = vector.broadcast %scan3A_126 : i32 to vector<8x128xi32>
      %select_n3A = arith.select %eq3A_136, %broadcast_in_dim3A_137, %scan3A_128 : vector<8x128xi1>, vector<8x128xi32>
      %get3A_138 = arith.constant 0 : index
      %get3A_139 = arith.index_cast %scan3A_126 : i32 to index
      %get3A_140 = arith.constant 0 : index
      %get3A_141 = vector.load %arg1[%get3A_138, %get3A_139, %get3A_140] : memref<2x8192x3xf32, #tpu.memory_space<vmem>>, vector<1x1x3xf32>
      %get3A_142 = vector.shape_cast %get3A_141 : vector<1x1x3xf32> to vector<1x3xf32>
      %slice3A = vector.extract_strided_slice %get3A_142 {offsets = [0, 0], sizes = [1, 1], strides = [1, 1]} : vector<1x3xf32> to vector<1x1xf32>
      %eq3A_143 = vector.broadcast %scan3A_123 : i32 to vector<8x128xi32>
      %eq3A_144 = arith.cmpi eq, %add3A_8, %eq3A_143 : vector<8x128xi32>
      %broadcast_in_dim3A_145 = vector.shape_cast %slice3A : vector<1x1xf32> to vector<1x1xf32>
      %broadcast_in_dim3A_146 = vector.broadcast %broadcast_in_dim3A_145 : vector<1x1xf32> to vector<8x128xf32>
      %select_n3A_147 = arith.select %eq3A_144, %broadcast_in_dim3A_146, %scan3A_130 : vector<8x128xi1>, vector<8x128xf32>
      %sub3A = vector.broadcast %slice3A : vector<1x1xf32> to vector<64x128xf32>
      %sub3A_148 = arith.subf %get3A_13, %sub3A : vector<64x128xf32>
      %mul3A_149 = arith.mulf %sub3A_148, %sub3A_148 : vector<64x128xf32>
      %slice3A_150 = vector.extract_strided_slice %get3A_142 {offsets = [0, 1], sizes = [1, 1], strides = [1, 1]} : vector<1x3xf32> to vector<1x1xf32>
      %eq3A_151 = vector.broadcast %scan3A_123 : i32 to vector<8x128xi32>
      %eq3A_152 = arith.cmpi eq, %add3A_8, %eq3A_151 : vector<8x128xi32>
      %broadcast_in_dim3A_153 = vector.shape_cast %slice3A_150 : vector<1x1xf32> to vector<1x1xf32>
      %broadcast_in_dim3A_154 = vector.broadcast %broadcast_in_dim3A_153 : vector<1x1xf32> to vector<8x128xf32>
      %select_n3A_155 = arith.select %eq3A_152, %broadcast_in_dim3A_154, %scan3A_131 : vector<8x128xi1>, vector<8x128xf32>
      %sub3A_156 = vector.broadcast %slice3A_150 : vector<1x1xf32> to vector<64x128xf32>
      %sub3A_157 = arith.subf %get3A_19, %sub3A_156 : vector<64x128xf32>
      %mul3A_158 = arith.mulf %sub3A_157, %sub3A_157 : vector<64x128xf32>
      %add3A_159 = arith.addf %mul3A_149, %mul3A_158 : vector<64x128xf32>
      %slice3A_160 = vector.extract_strided_slice %get3A_142 {offsets = [0, 2], sizes = [1, 1], strides = [1, 1]} : vector<1x3xf32> to vector<1x1xf32>
      %eq3A_161 = vector.broadcast %scan3A_123 : i32 to vector<8x128xi32>
      %eq3A_162 = arith.cmpi eq, %add3A_8, %eq3A_161 : vector<8x128xi32>
      %broadcast_in_dim3A_163 = vector.shape_cast %slice3A_160 : vector<1x1xf32> to vector<1x1xf32>
      %broadcast_in_dim3A_164 = vector.broadcast %broadcast_in_dim3A_163 : vector<1x1xf32> to vector<8x128xf32>
      %select_n3A_165 = arith.select %eq3A_162, %broadcast_in_dim3A_164, %scan3A_132 : vector<8x128xi1>, vector<8x128xf32>
      %sub3A_166 = vector.broadcast %slice3A_160 : vector<1x1xf32> to vector<64x128xf32>
      %sub3A_167 = arith.subf %get3A_25, %sub3A_166 : vector<64x128xf32>
      %mul3A_168 = arith.mulf %sub3A_167, %sub3A_167 : vector<64x128xf32>
      %add3A_169 = arith.addf %add3A_159, %mul3A_168 : vector<64x128xf32>
      %min3A = arith.minimumf %scan3A_124, %add3A_169 : vector<64x128xf32>
      %slice3A_170 = vector.extract_strided_slice %min3A {offsets = [0, 0], sizes = [32, 128], strides = [1, 1]} : vector<64x128xf32> to vector<32x128xf32>
      %slice3A_171 = vector.extract_strided_slice %add3A {offsets = [0, 0], sizes = [32, 128], strides = [1, 1]} : vector<64x128xi32> to vector<32x128xi32>
      %slice3A_172 = vector.extract_strided_slice %min3A {offsets = [32, 0], sizes = [32, 128], strides = [1, 1]} : vector<64x128xf32> to vector<32x128xf32>
      %slice3A_173 = vector.extract_strided_slice %add3A {offsets = [32, 0], sizes = [32, 128], strides = [1, 1]} : vector<64x128xi32> to vector<32x128xi32>
      %gt3A = arith.cmpf ogt, %slice3A_172, %slice3A_170 : vector<32x128xf32>
      %select_n3A_174 = arith.select %gt3A, %slice3A_172, %slice3A_170 : vector<32x128xi1>, vector<32x128xf32>
      %select_n3A_175 = arith.select %gt3A, %slice3A_173, %slice3A_171 : vector<32x128xi1>, vector<32x128xi32>
      %slice3A_176 = vector.extract_strided_slice %select_n3A_174 {offsets = [0, 0], sizes = [16, 128], strides = [1, 1]} : vector<32x128xf32> to vector<16x128xf32>
      %slice3A_177 = vector.extract_strided_slice %select_n3A_175 {offsets = [0, 0], sizes = [16, 128], strides = [1, 1]} : vector<32x128xi32> to vector<16x128xi32>
      %slice3A_178 = vector.extract_strided_slice %select_n3A_174 {offsets = [16, 0], sizes = [16, 128], strides = [1, 1]} : vector<32x128xf32> to vector<16x128xf32>
      %slice3A_179 = vector.extract_strided_slice %select_n3A_175 {offsets = [16, 0], sizes = [16, 128], strides = [1, 1]} : vector<32x128xi32> to vector<16x128xi32>
      %gt3A_180 = arith.cmpf ogt, %slice3A_178, %slice3A_176 : vector<16x128xf32>
      %select_n3A_181 = arith.select %gt3A_180, %slice3A_178, %slice3A_176 : vector<16x128xi1>, vector<16x128xf32>
      %select_n3A_182 = arith.select %gt3A_180, %slice3A_179, %slice3A_177 : vector<16x128xi1>, vector<16x128xi32>
      %slice3A_183 = vector.extract_strided_slice %select_n3A_181 {offsets = [0, 0], sizes = [8, 128], strides = [1, 1]} : vector<16x128xf32> to vector<8x128xf32>
      %slice3A_184 = vector.extract_strided_slice %select_n3A_182 {offsets = [0, 0], sizes = [8, 128], strides = [1, 1]} : vector<16x128xi32> to vector<8x128xi32>
      %slice3A_185 = vector.extract_strided_slice %select_n3A_181 {offsets = [8, 0], sizes = [8, 128], strides = [1, 1]} : vector<16x128xf32> to vector<8x128xf32>
      %slice3A_186 = vector.extract_strided_slice %select_n3A_182 {offsets = [8, 0], sizes = [8, 128], strides = [1, 1]} : vector<16x128xi32> to vector<8x128xi32>
      %gt3A_187 = arith.cmpf ogt, %slice3A_185, %slice3A_183 : vector<8x128xf32>
      %select_n3A_188 = arith.select %gt3A_187, %slice3A_185, %slice3A_183 : vector<8x128xi1>, vector<8x128xf32>
      %select_n3A_189 = arith.select %gt3A_187, %slice3A_186, %slice3A_184 : vector<8x128xi1>, vector<8x128xi32>
      %slice3A_190 = vector.extract_strided_slice %select_n3A_188 {offsets = [0, 0], sizes = [4, 128], strides = [1, 1]} : vector<8x128xf32> to vector<4x128xf32>
      %slice3A_191 = vector.extract_strided_slice %select_n3A_189 {offsets = [0, 0], sizes = [4, 128], strides = [1, 1]} : vector<8x128xi32> to vector<4x128xi32>
      %slice3A_192 = vector.extract_strided_slice %select_n3A_188 {offsets = [4, 0], sizes = [4, 128], strides = [1, 1]} : vector<8x128xf32> to vector<4x128xf32>
      %slice3A_193 = vector.extract_strided_slice %select_n3A_189 {offsets = [4, 0], sizes = [4, 128], strides = [1, 1]} : vector<8x128xi32> to vector<4x128xi32>
      %gt3A_194 = arith.cmpf ogt, %slice3A_192, %slice3A_190 : vector<4x128xf32>
      %select_n3A_195 = arith.select %gt3A_194, %slice3A_192, %slice3A_190 : vector<4x128xi1>, vector<4x128xf32>
      %select_n3A_196 = arith.select %gt3A_194, %slice3A_193, %slice3A_191 : vector<4x128xi1>, vector<4x128xi32>
      %slice3A_197 = vector.extract_strided_slice %select_n3A_195 {offsets = [0, 0], sizes = [2, 128], strides = [1, 1]} : vector<4x128xf32> to vector<2x128xf32>
      %slice3A_198 = vector.extract_strided_slice %select_n3A_196 {offsets = [0, 0], sizes = [2, 128], strides = [1, 1]} : vector<4x128xi32> to vector<2x128xi32>
      %slice3A_199 = vector.extract_strided_slice %select_n3A_195 {offsets = [2, 0], sizes = [2, 128], strides = [1, 1]} : vector<4x128xf32> to vector<2x128xf32>
      %slice3A_200 = vector.extract_strided_slice %select_n3A_196 {offsets = [2, 0], sizes = [2, 128], strides = [1, 1]} : vector<4x128xi32> to vector<2x128xi32>
      %gt3A_201 = arith.cmpf ogt, %slice3A_199, %slice3A_197 : vector<2x128xf32>
      %select_n3A_202 = arith.select %gt3A_201, %slice3A_199, %slice3A_197 : vector<2x128xi1>, vector<2x128xf32>
      %select_n3A_203 = arith.select %gt3A_201, %slice3A_200, %slice3A_198 : vector<2x128xi1>, vector<2x128xi32>
      %slice3A_204 = vector.extract_strided_slice %select_n3A_202 {offsets = [0, 0], sizes = [1, 128], strides = [1, 1]} : vector<2x128xf32> to vector<1x128xf32>
      %slice3A_205 = vector.extract_strided_slice %select_n3A_203 {offsets = [0, 0], sizes = [1, 128], strides = [1, 1]} : vector<2x128xi32> to vector<1x128xi32>
      %slice3A_206 = vector.extract_strided_slice %select_n3A_202 {offsets = [1, 0], sizes = [1, 128], strides = [1, 1]} : vector<2x128xf32> to vector<1x128xf32>
      %slice3A_207 = vector.extract_strided_slice %select_n3A_203 {offsets = [1, 0], sizes = [1, 128], strides = [1, 1]} : vector<2x128xi32> to vector<1x128xi32>
      %gt3A_208 = arith.cmpf ogt, %slice3A_206, %slice3A_204 : vector<1x128xf32>
      %select_n3A_209 = arith.select %gt3A_208, %slice3A_206, %slice3A_204 : vector<1x128xi1>, vector<1x128xf32>
      %select_n3A_210 = arith.select %gt3A_208, %slice3A_207, %slice3A_205 : vector<1x128xi1>, vector<1x128xi32>
      %reduce_max3A = vector.shape_cast %select_n3A_209 : vector<1x128xf32> to vector<1x1x128xf32>
      %reduce_max3A_211 = arith.constant dense<0xFF800000> : vector<1xf32>
      %reduce_max3A_212 = vector.multi_reduction <maximumf>, %reduce_max3A, %reduce_max3A_211 [1, 2] : vector<1x1x128xf32> to vector<1xf32>
      %reduce_max3A_213 = vector.shape_cast %reduce_max3A_212 : vector<1xf32> to vector<1x1x1xf32>
      %reduce_max3A_214 = vector.extract %reduce_max3A_213[0, 0, 0] : f32 from vector<1x1x1xf32>
      %eq3A_215 = vector.broadcast %reduce_max3A_214 : f32 to vector<1x128xf32>
      %eq3A_216 = arith.cmpf oeq, %select_n3A_209, %eq3A_215 : vector<1x128xf32>
      %jit3A = arith.constant 8192 : i32
      %broadcast_in_dim3A_217 = vector.broadcast %jit3A : i32 to vector<1x128xi32>
      %select_n3A_218 = arith.select %eq3A_216, %select_n3A_210, %broadcast_in_dim3A_217 : vector<1x128xi1>, vector<1x128xi32>
      %reduce_min3A = vector.shape_cast %select_n3A_218 : vector<1x128xi32> to vector<1x1x128xi32>
      %reduce_min3A_219 = arith.constant dense<2147483647> : vector<1xi32>
      %reduce_min3A_220 = vector.multi_reduction <minsi>, %reduce_min3A, %reduce_min3A_219 [1, 2] : vector<1x1x128xi32> to vector<1xi32>
      %reduce_min3A_221 = vector.shape_cast %reduce_min3A_220 : vector<1xi32> to vector<1x1x1xi32>
      %reduce_min3A_222 = vector.extract %reduce_min3A_221[0, 0, 0] : i32 from vector<1x1x1xi32>
      %eq3A_223 = vector.broadcast %scan3A_123 : i32 to vector<8x128xi32>
      %eq3A_224 = arith.cmpi eq, %add3A_8, %eq3A_223 : vector<8x128xi32>
      %broadcast_in_dim3A_225 = vector.broadcast %scan3A_127 : i32 to vector<8x128xi32>
      %select_n3A_226 = arith.select %eq3A_224, %broadcast_in_dim3A_225, %scan3A_129 : vector<8x128xi1>, vector<8x128xi32>
      %get3A_227 = arith.constant 1 : index
      %get3A_228 = arith.index_cast %scan3A_127 : i32 to index
      %get3A_229 = arith.constant 0 : index
      %get3A_230 = vector.load %arg1[%get3A_227, %get3A_228, %get3A_229] : memref<2x8192x3xf32, #tpu.memory_space<vmem>>, vector<1x1x3xf32>
      %get3A_231 = vector.shape_cast %get3A_230 : vector<1x1x3xf32> to vector<1x3xf32>
      %slice3A_232 = vector.extract_strided_slice %get3A_231 {offsets = [0, 0], sizes = [1, 1], strides = [1, 1]} : vector<1x3xf32> to vector<1x1xf32>
      %eq3A_233 = vector.broadcast %scan3A_123 : i32 to vector<8x128xi32>
      %eq3A_234 = arith.cmpi eq, %add3A_8, %eq3A_233 : vector<8x128xi32>
      %broadcast_in_dim3A_235 = vector.shape_cast %slice3A_232 : vector<1x1xf32> to vector<1x1xf32>
      %broadcast_in_dim3A_236 = vector.broadcast %broadcast_in_dim3A_235 : vector<1x1xf32> to vector<8x128xf32>
      %select_n3A_237 = arith.select %eq3A_234, %broadcast_in_dim3A_236, %scan3A_133 : vector<8x128xi1>, vector<8x128xf32>
      %sub3A_238 = vector.broadcast %slice3A_232 : vector<1x1xf32> to vector<64x128xf32>
      %sub3A_239 = arith.subf %get3A_31, %sub3A_238 : vector<64x128xf32>
      %mul3A_240 = arith.mulf %sub3A_239, %sub3A_239 : vector<64x128xf32>
      %slice3A_241 = vector.extract_strided_slice %get3A_231 {offsets = [0, 1], sizes = [1, 1], strides = [1, 1]} : vector<1x3xf32> to vector<1x1xf32>
      %eq3A_242 = vector.broadcast %scan3A_123 : i32 to vector<8x128xi32>
      %eq3A_243 = arith.cmpi eq, %add3A_8, %eq3A_242 : vector<8x128xi32>
      %broadcast_in_dim3A_244 = vector.shape_cast %slice3A_241 : vector<1x1xf32> to vector<1x1xf32>
      %broadcast_in_dim3A_245 = vector.broadcast %broadcast_in_dim3A_244 : vector<1x1xf32> to vector<8x128xf32>
      %select_n3A_246 = arith.select %eq3A_243, %broadcast_in_dim3A_245, %scan3A_134 : vector<8x128xi1>, vector<8x128xf32>
      %sub3A_247 = vector.broadcast %slice3A_241 : vector<1x1xf32> to vector<64x128xf32>
      %sub3A_248 = arith.subf %get3A_37, %sub3A_247 : vector<64x128xf32>
      %mul3A_249 = arith.mulf %sub3A_248, %sub3A_248 : vector<64x128xf32>
      %add3A_250 = arith.addf %mul3A_240, %mul3A_249 : vector<64x128xf32>
      %slice3A_251 = vector.extract_strided_slice %get3A_231 {offsets = [0, 2], sizes = [1, 1], strides = [1, 1]} : vector<1x3xf32> to vector<1x1xf32>
      %eq3A_252 = vector.broadcast %scan3A_123 : i32 to vector<8x128xi32>
      %eq3A_253 = arith.cmpi eq, %add3A_8, %eq3A_252 : vector<8x128xi32>
      %broadcast_in_dim3A_254 = vector.shape_cast %slice3A_251 : vector<1x1xf32> to vector<1x1xf32>
      %broadcast_in_dim3A_255 = vector.broadcast %broadcast_in_dim3A_254 : vector<1x1xf32> to vector<8x128xf32>
      %select_n3A_256 = arith.select %eq3A_253, %broadcast_in_dim3A_255, %scan3A_135 : vector<8x128xi1>, vector<8x128xf32>
      %sub3A_257 = vector.broadcast %slice3A_251 : vector<1x1xf32> to vector<64x128xf32>
      %sub3A_258 = arith.subf %get3A_43, %sub3A_257 : vector<64x128xf32>
      %mul3A_259 = arith.mulf %sub3A_258, %sub3A_258 : vector<64x128xf32>
      %add3A_260 = arith.addf %add3A_250, %mul3A_259 : vector<64x128xf32>
      %min3A_261 = arith.minimumf %scan3A_125, %add3A_260 : vector<64x128xf32>
      %slice3A_262 = vector.extract_strided_slice %min3A_261 {offsets = [0, 0], sizes = [32, 128], strides = [1, 1]} : vector<64x128xf32> to vector<32x128xf32>
      %slice3A_263 = vector.extract_strided_slice %add3A {offsets = [0, 0], sizes = [32, 128], strides = [1, 1]} : vector<64x128xi32> to vector<32x128xi32>
      %slice3A_264 = vector.extract_strided_slice %min3A_261 {offsets = [32, 0], sizes = [32, 128], strides = [1, 1]} : vector<64x128xf32> to vector<32x128xf32>
      %slice3A_265 = vector.extract_strided_slice %add3A {offsets = [32, 0], sizes = [32, 128], strides = [1, 1]} : vector<64x128xi32> to vector<32x128xi32>
      %gt3A_266 = arith.cmpf ogt, %slice3A_264, %slice3A_262 : vector<32x128xf32>
      %select_n3A_267 = arith.select %gt3A_266, %slice3A_264, %slice3A_262 : vector<32x128xi1>, vector<32x128xf32>
      %select_n3A_268 = arith.select %gt3A_266, %slice3A_265, %slice3A_263 : vector<32x128xi1>, vector<32x128xi32>
      %slice3A_269 = vector.extract_strided_slice %select_n3A_267 {offsets = [0, 0], sizes = [16, 128], strides = [1, 1]} : vector<32x128xf32> to vector<16x128xf32>
      %slice3A_270 = vector.extract_strided_slice %select_n3A_268 {offsets = [0, 0], sizes = [16, 128], strides = [1, 1]} : vector<32x128xi32> to vector<16x128xi32>
      %slice3A_271 = vector.extract_strided_slice %select_n3A_267 {offsets = [16, 0], sizes = [16, 128], strides = [1, 1]} : vector<32x128xf32> to vector<16x128xf32>
      %slice3A_272 = vector.extract_strided_slice %select_n3A_268 {offsets = [16, 0], sizes = [16, 128], strides = [1, 1]} : vector<32x128xi32> to vector<16x128xi32>
      %gt3A_273 = arith.cmpf ogt, %slice3A_271, %slice3A_269 : vector<16x128xf32>
      %select_n3A_274 = arith.select %gt3A_273, %slice3A_271, %slice3A_269 : vector<16x128xi1>, vector<16x128xf32>
      %select_n3A_275 = arith.select %gt3A_273, %slice3A_272, %slice3A_270 : vector<16x128xi1>, vector<16x128xi32>
      %slice3A_276 = vector.extract_strided_slice %select_n3A_274 {offsets = [0, 0], sizes = [8, 128], strides = [1, 1]} : vector<16x128xf32> to vector<8x128xf32>
      %slice3A_277 = vector.extract_strided_slice %select_n3A_275 {offsets = [0, 0], sizes = [8, 128], strides = [1, 1]} : vector<16x128xi32> to vector<8x128xi32>
      %slice3A_278 = vector.extract_strided_slice %select_n3A_274 {offsets = [8, 0], sizes = [8, 128], strides = [1, 1]} : vector<16x128xf32> to vector<8x128xf32>
      %slice3A_279 = vector.extract_strided_slice %select_n3A_275 {offsets = [8, 0], sizes = [8, 128], strides = [1, 1]} : vector<16x128xi32> to vector<8x128xi32>
      %gt3A_280 = arith.cmpf ogt, %slice3A_278, %slice3A_276 : vector<8x128xf32>
      %select_n3A_281 = arith.select %gt3A_280, %slice3A_278, %slice3A_276 : vector<8x128xi1>, vector<8x128xf32>
      %select_n3A_282 = arith.select %gt3A_280, %slice3A_279, %slice3A_277 : vector<8x128xi1>, vector<8x128xi32>
      %slice3A_283 = vector.extract_strided_slice %select_n3A_281 {offsets = [0, 0], sizes = [4, 128], strides = [1, 1]} : vector<8x128xf32> to vector<4x128xf32>
      %slice3A_284 = vector.extract_strided_slice %select_n3A_282 {offsets = [0, 0], sizes = [4, 128], strides = [1, 1]} : vector<8x128xi32> to vector<4x128xi32>
      %slice3A_285 = vector.extract_strided_slice %select_n3A_281 {offsets = [4, 0], sizes = [4, 128], strides = [1, 1]} : vector<8x128xf32> to vector<4x128xf32>
      %slice3A_286 = vector.extract_strided_slice %select_n3A_282 {offsets = [4, 0], sizes = [4, 128], strides = [1, 1]} : vector<8x128xi32> to vector<4x128xi32>
      %gt3A_287 = arith.cmpf ogt, %slice3A_285, %slice3A_283 : vector<4x128xf32>
      %select_n3A_288 = arith.select %gt3A_287, %slice3A_285, %slice3A_283 : vector<4x128xi1>, vector<4x128xf32>
      %select_n3A_289 = arith.select %gt3A_287, %slice3A_286, %slice3A_284 : vector<4x128xi1>, vector<4x128xi32>
      %slice3A_290 = vector.extract_strided_slice %select_n3A_288 {offsets = [0, 0], sizes = [2, 128], strides = [1, 1]} : vector<4x128xf32> to vector<2x128xf32>
      %slice3A_291 = vector.extract_strided_slice %select_n3A_289 {offsets = [0, 0], sizes = [2, 128], strides = [1, 1]} : vector<4x128xi32> to vector<2x128xi32>
      %slice3A_292 = vector.extract_strided_slice %select_n3A_288 {offsets = [2, 0], sizes = [2, 128], strides = [1, 1]} : vector<4x128xf32> to vector<2x128xf32>
      %slice3A_293 = vector.extract_strided_slice %select_n3A_289 {offsets = [2, 0], sizes = [2, 128], strides = [1, 1]} : vector<4x128xi32> to vector<2x128xi32>
      %gt3A_294 = arith.cmpf ogt, %slice3A_292, %slice3A_290 : vector<2x128xf32>
      %select_n3A_295 = arith.select %gt3A_294, %slice3A_292, %slice3A_290 : vector<2x128xi1>, vector<2x128xf32>
      %select_n3A_296 = arith.select %gt3A_294, %slice3A_293, %slice3A_291 : vector<2x128xi1>, vector<2x128xi32>
      %slice3A_297 = vector.extract_strided_slice %select_n3A_295 {offsets = [0, 0], sizes = [1, 128], strides = [1, 1]} : vector<2x128xf32> to vector<1x128xf32>
      %slice3A_298 = vector.extract_strided_slice %select_n3A_296 {offsets = [0, 0], sizes = [1, 128], strides = [1, 1]} : vector<2x128xi32> to vector<1x128xi32>
      %slice3A_299 = vector.extract_strided_slice %select_n3A_295 {offsets = [1, 0], sizes = [1, 128], strides = [1, 1]} : vector<2x128xf32> to vector<1x128xf32>
      %slice3A_300 = vector.extract_strided_slice %select_n3A_296 {offsets = [1, 0], sizes = [1, 128], strides = [1, 1]} : vector<2x128xi32> to vector<1x128xi32>
      %gt3A_301 = arith.cmpf ogt, %slice3A_299, %slice3A_297 : vector<1x128xf32>
      %select_n3A_302 = arith.select %gt3A_301, %slice3A_299, %slice3A_297 : vector<1x128xi1>, vector<1x128xf32>
      %select_n3A_303 = arith.select %gt3A_301, %slice3A_300, %slice3A_298 : vector<1x128xi1>, vector<1x128xi32>
      %reduce_max3A_304 = vector.shape_cast %select_n3A_302 : vector<1x128xf32> to vector<1x1x128xf32>
      %reduce_max3A_305 = arith.constant dense<0xFF800000> : vector<1xf32>
      %reduce_max3A_306 = vector.multi_reduction <maximumf>, %reduce_max3A_304, %reduce_max3A_305 [1, 2] : vector<1x1x128xf32> to vector<1xf32>
      %reduce_max3A_307 = vector.shape_cast %reduce_max3A_306 : vector<1xf32> to vector<1x1x1xf32>
      %reduce_max3A_308 = vector.extract %reduce_max3A_307[0, 0, 0] : f32 from vector<1x1x1xf32>
      %eq3A_309 = vector.broadcast %reduce_max3A_308 : f32 to vector<1x128xf32>
      %eq3A_310 = arith.cmpf oeq, %select_n3A_302, %eq3A_309 : vector<1x128xf32>
      %jit3A_311 = arith.constant 8192 : i32
      %broadcast_in_dim3A_312 = vector.broadcast %jit3A_311 : i32 to vector<1x128xi32>
      %select_n3A_313 = arith.select %eq3A_310, %select_n3A_303, %broadcast_in_dim3A_312 : vector<1x128xi1>, vector<1x128xi32>
      %reduce_min3A_314 = vector.shape_cast %select_n3A_313 : vector<1x128xi32> to vector<1x1x128xi32>
      %reduce_min3A_315 = arith.constant dense<2147483647> : vector<1xi32>
      %reduce_min3A_316 = vector.multi_reduction <minsi>, %reduce_min3A_314, %reduce_min3A_315 [1, 2] : vector<1x1x128xi32> to vector<1xi32>
      %reduce_min3A_317 = vector.shape_cast %reduce_min3A_316 : vector<1xi32> to vector<1x1x1xi32>
      %reduce_min3A_318 = vector.extract %reduce_min3A_317[0, 0, 0] : i32 from vector<1x1x1xi32>
      scf.yield %min3A, %min3A_261, %reduce_min3A_222, %reduce_min3A_318, %select_n3A, %select_n3A_226, %select_n3A_147, %select_n3A_155, %select_n3A_165, %select_n3A_237, %select_n3A_246, %select_n3A_256 : vector<64x128xf32>, vector<64x128xf32>, i32, i32, vector<8x128xi32>, vector<8x128xi32>, vector<8x128xf32>, vector<8x128xf32>, vector<8x128xf32>, vector<8x128xf32>, vector<8x128xf32>, vector<8x128xf32>
    }
    %scan3A_69 = arith.constant 1024 : i32
    %swap3A = arith.constant 0 : index
    %swap3A_70 = arith.constant 0 : index
    %swap3A_71 = arith.constant 0 : index
    %swap3A_72 = vector.load %arg2[%swap3A, %swap3A_70, %swap3A_71] : memref<2x8x128xi32, #tpu.memory_space<vmem>>, vector<1x8x128xi32>
    %swap3A_73 = vector.shape_cast %swap3A_72 : vector<1x8x128xi32> to vector<8x128xi32>
    %swap3A_74 = vector.shape_cast %scan3A_68#4 : vector<8x128xi32> to vector<1x8x128xi32>
    tpu.vector_store %arg2[%swap3A, %swap3A_70, %swap3A_71], %swap3A_74 {strides = array<i32>} : memref<2x8x128xi32, #tpu.memory_space<vmem>>, vector<1x8x128xi32>,
    %swap3A_75 = arith.constant 0 : index
    %swap3A_76 = arith.constant 0 : index
    %swap3A_77 = arith.constant 0 : index
    %swap3A_78 = arith.constant 0 : index
    %swap3A_79 = vector.load %arg3[%swap3A_75, %swap3A_76, %swap3A_77, %swap3A_78] : memref<2x3x8x128xf32, #tpu.memory_space<vmem>>, vector<1x1x8x128xf32>
    %swap3A_80 = vector.shape_cast %swap3A_79 : vector<1x1x8x128xf32> to vector<8x128xf32>
    %swap3A_81 = vector.shape_cast %scan3A_68#6 : vector<8x128xf32> to vector<1x1x8x128xf32>
    tpu.vector_store %arg3[%swap3A_75, %swap3A_76, %swap3A_77, %swap3A_78], %swap3A_81 {strides = array<i32>} : memref<2x3x8x128xf32, #tpu.memory_space<vmem>>, vector<1x1x8x128xf32>,
    %swap3A_82 = arith.constant 0 : index
    %swap3A_83 = arith.constant 1 : index
    %swap3A_84 = arith.constant 0 : index
    %swap3A_85 = arith.constant 0 : index
    %swap3A_86 = vector.load %arg3[%swap3A_82, %swap3A_83, %swap3A_84, %swap3A_85] : memref<2x3x8x128xf32, #tpu.memory_space<vmem>>, vector<1x1x8x128xf32>
    %swap3A_87 = vector.shape_cast %swap3A_86 : vector<1x1x8x128xf32> to vector<8x128xf32>
    %swap3A_88 = vector.shape_cast %scan3A_68#7 : vector<8x128xf32> to vector<1x1x8x128xf32>
    tpu.vector_store %arg3[%swap3A_82, %swap3A_83, %swap3A_84, %swap3A_85], %swap3A_88 {strides = array<i32>} : memref<2x3x8x128xf32, #tpu.memory_space<vmem>>, vector<1x1x8x128xf32>,
    %swap3A_89 = arith.constant 0 : index
    %swap3A_90 = arith.constant 2 : index
    %swap3A_91 = arith.constant 0 : index
    %swap3A_92 = arith.constant 0 : index
    %swap3A_93 = vector.load %arg3[%swap3A_89, %swap3A_90, %swap3A_91, %swap3A_92] : memref<2x3x8x128xf32, #tpu.memory_space<vmem>>, vector<1x1x8x128xf32>
    %swap3A_94 = vector.shape_cast %swap3A_93 : vector<1x1x8x128xf32> to vector<8x128xf32>
    %swap3A_95 = vector.shape_cast %scan3A_68#8 : vector<8x128xf32> to vector<1x1x8x128xf32>
    tpu.vector_store %arg3[%swap3A_89, %swap3A_90, %swap3A_91, %swap3A_92], %swap3A_95 {strides = array<i32>} : memref<2x3x8x128xf32, #tpu.memory_space<vmem>>, vector<1x1x8x128xf32>,
    %swap3A_96 = arith.constant 1 : index
    %swap3A_97 = arith.constant 0 : index
    %swap3A_98 = arith.constant 0 : index
    %swap3A_99 = vector.load %arg2[%swap3A_96, %swap3A_97, %swap3A_98] : memref<2x8x128xi32, #tpu.memory_space<vmem>>, vector<1x8x128xi32>
    %swap3A_100 = vector.shape_cast %swap3A_99 : vector<1x8x128xi32> to vector<8x128xi32>
    %swap3A_101 = vector.shape_cast %scan3A_68#5 : vector<8x128xi32> to vector<1x8x128xi32>
    tpu.vector_store %arg2[%swap3A_96, %swap3A_97, %swap3A_98], %swap3A_101 {strides = array<i32>} : memref<2x8x128xi32, #tpu.memory_space<vmem>>, vector<1x8x128xi32>,
    %swap3A_102 = arith.constant 1 : index
    %swap3A_103 = arith.constant 0 : index
    %swap3A_104 = arith.constant 0 : index
    %swap3A_105 = arith.constant 0 : index
    %swap3A_106 = vector.load %arg3[%swap3A_102, %swap3A_103, %swap3A_104, %swap3A_105] : memref<2x3x8x128xf32, #tpu.memory_space<vmem>>, vector<1x1x8x128xf32>
    %swap3A_107 = vector.shape_cast %swap3A_106 : vector<1x1x8x128xf32> to vector<8x128xf32>
    %swap3A_108 = vector.shape_cast %scan3A_68#9 : vector<8x128xf32> to vector<1x1x8x128xf32>
    tpu.vector_store %arg3[%swap3A_102, %swap3A_103, %swap3A_104, %swap3A_105], %swap3A_108 {strides = array<i32>} : memref<2x3x8x128xf32, #tpu.memory_space<vmem>>, vector<1x1x8x128xf32>,
    %swap3A_109 = arith.constant 1 : index
    %swap3A_110 = arith.constant 1 : index
    %swap3A_111 = arith.constant 0 : index
    %swap3A_112 = arith.constant 0 : index
    %swap3A_113 = vector.load %arg3[%swap3A_109, %swap3A_110, %swap3A_111, %swap3A_112] : memref<2x3x8x128xf32, #tpu.memory_space<vmem>>, vector<1x1x8x128xf32>
    %swap3A_114 = vector.shape_cast %swap3A_113 : vector<1x1x8x128xf32> to vector<8x128xf32>
    %swap3A_115 = vector.shape_cast %scan3A_68#10 : vector<8x128xf32> to vector<1x1x8x128xf32>
    tpu.vector_store %arg3[%swap3A_109, %swap3A_110, %swap3A_111, %swap3A_112], %swap3A_115 {strides = array<i32>} : memref<2x3x8x128xf32, #tpu.memory_space<vmem>>, vector<1x1x8x128xf32>,
    %swap3A_116 = arith.constant 1 : index
    %swap3A_117 = arith.constant 2 : index
    %swap3A_118 = arith.constant 0 : index
    %swap3A_119 = arith.constant 0 : index
    %swap3A_120 = vector.load %arg3[%swap3A_116, %swap3A_117, %swap3A_118, %swap3A_119] : memref<2x3x8x128xf32, #tpu.memory_space<vmem>>, vector<1x1x8x128xf32>
    %swap3A_121 = vector.shape_cast %swap3A_120 : vector<1x1x8x128xf32> to vector<8x128xf32>
    %swap3A_122 = vector.shape_cast %scan3A_68#11 : vector<8x128xf32> to vector<1x1x8x128xf32>
    tpu.vector_store %arg3[%swap3A_116, %swap3A_117, %swap3A_118, %swap3A_119], %swap3A_122 {strides = array<i32>} : memref<2x3x8x128xf32, #tpu.memory_space<vmem>>, vector<1x1x8x128xf32>,
    return
  }
}

module attributes {stable_mosaic.version = 14 : i64} {
  func.func @_d2_kernel(%arg0: i32, %arg1: i32, %arg2: i32, %arg3: memref<1x256x3xf32, #tpu.memory_space<vmem>>, %arg4: memref<1x3x1024xf32, #tpu.memory_space<vmem>>, %arg5: memref<1x256x1024xf32, #tpu.memory_space<vmem>>) attributes {dimension_semantics = [#tpu.dimension_semantics<arbitrary>, #tpu.dimension_semantics<arbitrary>, #tpu.dimension_semantics<arbitrary>], iteration_bounds = array<i64: 2, 4, 8>, scalar_prefetch = 0 : i64, scratch_operands = 0 : i64, tpu.core_type = #tpu.core_type<tc>, window_params = [{transform_indices = @transform_0, window_bounds = array<i64: 1, 256, 3>}, {transform_indices = @transform_1, window_bounds = array<i64: 1, 3, 1024>}, {transform_indices = @transform_2, window_bounds = array<i64: 1, 256, 1024>}]} {
    %get3A = arith.constant 0 : index
    %get3A_0 = arith.constant 0 : index
    %get3A_1 = arith.constant 0 : index
    %get3A_2 = vector.load %arg3[%get3A, %get3A_0, %get3A_1] : memref<1x256x3xf32, #tpu.memory_space<vmem>>, vector<1x256x3xf32>
    %get3A_3 = vector.shape_cast %get3A_2 : vector<1x256x3xf32> to vector<256x3xf32>
    %get3A_4 = arith.constant 0 : index
    %get3A_5 = arith.constant 0 : index
    %get3A_6 = arith.constant 0 : index
    %get3A_7 = vector.load %arg4[%get3A_4, %get3A_5, %get3A_6] : memref<1x3x1024xf32, #tpu.memory_space<vmem>>, vector<1x3x1024xf32>
    %get3A_8 = vector.shape_cast %get3A_7 : vector<1x3x1024xf32> to vector<3x1024xf32>
    %slice3A = vector.extract_strided_slice %get3A_3 {offsets = [0, 0], sizes = [256, 1], strides = [1, 1]} : vector<256x3xf32> to vector<256x1xf32>
    %slice3A_9 = vector.extract_strided_slice %get3A_8 {offsets = [0, 0], sizes = [1, 1024], strides = [1, 1]} : vector<3x1024xf32> to vector<1x1024xf32>
    %sub3A = vector.broadcast %slice3A : vector<256x1xf32> to vector<256x1024xf32>
    %sub3A_10 = vector.broadcast %slice3A_9 : vector<1x1024xf32> to vector<256x1024xf32>
    %sub3A_11 = arith.subf %sub3A, %sub3A_10 : vector<256x1024xf32>
    %mul3A = arith.mulf %sub3A_11, %sub3A_11 : vector<256x1024xf32>
    %slice3A_12 = vector.extract_strided_slice %get3A_3 {offsets = [0, 1], sizes = [256, 1], strides = [1, 1]} : vector<256x3xf32> to vector<256x1xf32>
    %slice3A_13 = vector.extract_strided_slice %get3A_8 {offsets = [1, 0], sizes = [1, 1024], strides = [1, 1]} : vector<3x1024xf32> to vector<1x1024xf32>
    %sub3A_14 = vector.broadcast %slice3A_12 : vector<256x1xf32> to vector<256x1024xf32>
    %sub3A_15 = vector.broadcast %slice3A_13 : vector<1x1024xf32> to vector<256x1024xf32>
    %sub3A_16 = arith.subf %sub3A_14, %sub3A_15 : vector<256x1024xf32>
    %mul3A_17 = arith.mulf %sub3A_16, %sub3A_16 : vector<256x1024xf32>
    %add3A = arith.addf %mul3A, %mul3A_17 : vector<256x1024xf32>
    %slice3A_18 = vector.extract_strided_slice %get3A_3 {offsets = [0, 2], sizes = [256, 1], strides = [1, 1]} : vector<256x3xf32> to vector<256x1xf32>
    %slice3A_19 = vector.extract_strided_slice %get3A_8 {offsets = [2, 0], sizes = [1, 1024], strides = [1, 1]} : vector<3x1024xf32> to vector<1x1024xf32>
    %sub3A_20 = vector.broadcast %slice3A_18 : vector<256x1xf32> to vector<256x1024xf32>
    %sub3A_21 = vector.broadcast %slice3A_19 : vector<1x1024xf32> to vector<256x1024xf32>
    %sub3A_22 = arith.subf %sub3A_20, %sub3A_21 : vector<256x1024xf32>
    %mul3A_23 = arith.mulf %sub3A_22, %sub3A_22 : vector<256x1024xf32>
    %add3A_24 = arith.addf %add3A, %mul3A_23 : vector<256x1024xf32>
    %swap3A = arith.constant 0 : index
    %swap3A_25 = arith.constant 0 : index
    %swap3A_26 = arith.constant 0 : index
    %swap3A_27 = vector.load %arg5[%swap3A, %swap3A_25, %swap3A_26] : memref<1x256x1024xf32, #tpu.memory_space<vmem>>, vector<1x256x1024xf32>
    %swap3A_28 = vector.shape_cast %swap3A_27 : vector<1x256x1024xf32> to vector<256x1024xf32>
    %swap3A_29 = vector.shape_cast %add3A_24 : vector<256x1024xf32> to vector<1x256x1024xf32>
    tpu.vector_store %arg5[%swap3A, %swap3A_25, %swap3A_26], %swap3A_29 {strides = array<i32>} : memref<1x256x1024xf32, #tpu.memory_space<vmem>>, vector<1x256x1024xf32>,
    return
  }
  func.func @transform_0(%arg0: i32, %arg1: i32, %arg2: i32) -> (i32, i32, i32) {
    %c0_i32 = arith.constant 0 : i32
    %c0_i32_0 = arith.constant 0 : i32
    return %arg0, %arg1, %c0_i32 : i32, i32, i32
  }
  func.func @transform_1(%arg0: i32, %arg1: i32, %arg2: i32) -> (i32, i32, i32) {
    %c0_i32 = arith.constant 0 : i32
    %c0_i32_0 = arith.constant 0 : i32
    return %arg0, %c0_i32, %arg2 : i32, i32, i32
  }
  func.func @transform_2(%arg0: i32, %arg1: i32, %arg2: i32) -> (i32, i32, i32) {
    %c0_i32 = arith.constant 0 : i32
    return %arg0, %arg1, %arg2 : i32, i32, i32
  }
}

module attributes {stable_mosaic.version = 14 : i64} {
  func.func @_a_kernel(%arg0: i32, %arg1: memref<2048x67xf32, #tpu.memory_space<vmem>>, %arg2: memref<67x128xf32, #tpu.memory_space<vmem>>, %arg3: memref<2048x128xf32, #tpu.memory_space<vmem>>) attributes {dimension_semantics = [#tpu.dimension_semantics<arbitrary>], iteration_bounds = array<i64: 8>, scalar_prefetch = 0 : i64, scratch_operands = 0 : i64, tpu.core_type = #tpu.core_type<tc>, window_params = [{transform_indices = @transform_0, window_bounds = array<i64: 2048, 67>}, {pipeline_mode = #tpu.pipeline_mode<synchronous>, transform_indices = @transform_1, window_bounds = array<i64: 67, 128>}, {transform_indices = @transform_2, window_bounds = array<i64: 2048, 128>}]} {
    %get3A = arith.constant 0 : index
    %get3A_0 = arith.constant 0 : index
    %get3A_1 = vector.load %arg1[%get3A, %get3A_0] : memref<2048x67xf32, #tpu.memory_space<vmem>>, vector<2048x67xf32>
    %get3A_2 = arith.constant 0 : index
    %get3A_3 = arith.constant 0 : index
    %get3A_4 = vector.load %arg2[%get3A_2, %get3A_3] : memref<67x128xf32, #tpu.memory_space<vmem>>, vector<67x128xf32>
    %dot_general3A = arith.constant dense<0.000000e+00> : vector<2048x128xf32>
    %dot_general3A_5 = tpu.matmul %get3A_1, %get3A_4, %dot_general3A {dimension_numbers = #tpu.dot_dimension_numbers<[1], [0], [0], [1], [0, 0, 1, 1], [], []>, transpose_lhs_hint = false} : vector<2048x67xf32>, vector<67x128xf32>, vector<2048x128xf32> -> vector<2048x128xf32>
    %swap3A = arith.constant 0 : index
    %swap3A_6 = arith.constant 0 : index
    %swap3A_7 = vector.load %arg3[%swap3A, %swap3A_6] : memref<2048x128xf32, #tpu.memory_space<vmem>>, vector<2048x128xf32>
    tpu.vector_store %arg3[%swap3A, %swap3A_6], %dot_general3A_5 {strides = array<i32>} : memref<2048x128xf32, #tpu.memory_space<vmem>>, vector<2048x128xf32>,
    return
  }
  func.func @transform_0(%arg0: i32) -> (i32, i32) {
    %c0_i32 = arith.constant 0 : i32
    %c0_i32_0 = arith.constant 0 : i32
    return %arg0, %c0_i32 : i32, i32
  }
  func.func @transform_1(%arg0: i32) -> (i32, i32) {
    %c0_i32 = arith.constant 0 : i32
    %c0_i32_0 = arith.constant 0 : i32
    %c0_i32_1 = arith.constant 0 : i32
    return %c0_i32, %c0_i32_0 : i32, i32
  }
  func.func @transform_2(%arg0: i32) -> (i32, i32) {
    %c0_i32 = arith.constant 0 : i32
    %c0_i32_0 = arith.constant 0 : i32
    return %arg0, %c0_i32 : i32, i32
  }
}

module attributes {stable_mosaic.version = 14 : i64} {
  func.func @_mlp_kernel(%arg0: i32, %arg1: memref<64x32x128xf32, #tpu.memory_space<vmem>>, %arg2: memref<64x3xf32, #tpu.memory_space<vmem>>, %arg3: memref<3x64xf32, #tpu.memory_space<vmem>>, %arg4: memref<64xf32, #tpu.memory_space<vmem>>, %arg5: memref<64x64xf32, #tpu.memory_space<vmem>>, %arg6: memref<64xf32, #tpu.memory_space<vmem>>, %arg7: memref<64x128xf32, #tpu.memory_space<vmem>>, %arg8: memref<128xf32, #tpu.memory_space<vmem>>, %arg9: memref<64x128xf32, #tpu.memory_space<vmem>>) attributes {dimension_semantics = [#tpu.dimension_semantics<arbitrary>], iteration_bounds = array<i64: 32>, scalar_prefetch = 0 : i64, scratch_operands = 0 : i64, tpu.core_type = #tpu.core_type<tc>, window_params = [{transform_indices = @transform_0, window_bounds = array<i64: 64, 32, 128>}, {transform_indices = @transform_1, window_bounds = array<i64: 64, 3>}, {pipeline_mode = #tpu.pipeline_mode<synchronous>, transform_indices = @transform_2, window_bounds = array<i64: 3, 64>}, {pipeline_mode = #tpu.pipeline_mode<synchronous>, transform_indices = @transform_3, window_bounds = array<i64: 64>}, {pipeline_mode = #tpu.pipeline_mode<synchronous>, transform_indices = @transform_4, window_bounds = array<i64: 64, 64>}, {pipeline_mode = #tpu.pipeline_mode<synchronous>, transform_indices = @transform_5, window_bounds = array<i64: 64>}, {pipeline_mode = #tpu.pipeline_mode<synchronous>, transform_indices = @transform_6, window_bounds = array<i64: 64, 128>}, {pipeline_mode = #tpu.pipeline_mode<synchronous>, transform_indices = @transform_7, window_bounds = array<i64: 128>}, {transform_indices = @transform_8, window_bounds = array<i64: 64, 128>}]} {
    %get3A = arith.constant 0 : index
    %get3A_0 = vector.load %arg4[%get3A] : memref<64xf32, #tpu.memory_space<vmem>>, vector<64xf32>
    %get3A_1 = arith.constant 0 : index
    %get3A_2 = arith.constant 0 : index
    %get3A_3 = vector.load %arg2[%get3A_1, %get3A_2] : memref<64x3xf32, #tpu.memory_space<vmem>>, vector<64x3xf32>
    %get3A_4 = arith.constant 0 : index
    %get3A_5 = arith.constant 0 : index
    %get3A_6 = vector.load %arg3[%get3A_4, %get3A_5] : memref<3x64xf32, #tpu.memory_space<vmem>>, vector<3x64xf32>
    %dot_general3A = arith.constant dense<0.000000e+00> : vector<64x64xf32>
    %dot_general3A_7 = tpu.matmul %get3A_3, %get3A_6, %dot_general3A {dimension_numbers = #tpu.dot_dimension_numbers<[1], [0], [0], [1], [0, 0, 1, 1], [], []>, transpose_lhs_hint = false} : vector<64x3xf32>, vector<3x64xf32>, vector<64x64xf32> -> vector<64x64xf32>
    %broadcast_in_dim3A = vector.shape_cast %get3A_0 : vector<64xf32> to vector<1x64xf32>
    %sub3A = vector.broadcast %broadcast_in_dim3A : vector<1x64xf32> to vector<64x64xf32>
    %sub3A_8 = arith.subf %sub3A, %dot_general3A_7 : vector<64x64xf32>
    %get3A_9 = arith.constant 0 : index
    %get3A_10 = arith.constant 0 : index
    %get3A_11 = arith.constant 0 : index
    %get3A_12 = vector.load %arg1[%get3A_9, %get3A_10, %get3A_11] : memref<64x32x128xf32, #tpu.memory_space<vmem>>, vector<64x32x128xf32>
    %slice3A = vector.extract_strided_slice %get3A_12 {offsets = [0, 0, 0], sizes = [64, 32, 64], strides = [1, 1, 1]} : vector<64x32x128xf32> to vector<64x32x64xf32>
    %broadcast_in_dim3A_13 = vector.shape_cast %sub3A_8 : vector<64x64xf32> to vector<64x1x64xf32>
    %add3A = vector.broadcast %broadcast_in_dim3A_13 : vector<64x1x64xf32> to vector<64x32x64xf32>
    %add3A_14 = arith.addf %slice3A, %add3A : vector<64x32x64xf32>
    %ge3A = arith.constant 0.000000e+00 : f32
    %ge3A_15 = vector.broadcast %ge3A : f32 to vector<64x32x64xf32>
    %ge3A_16 = arith.cmpf oge, %add3A_14, %ge3A_15 : vector<64x32x64xf32>
    %mul3A = arith.constant 2.000000e-01 : f32
    %mul3A_17 = vector.broadcast %mul3A : f32 to vector<64x32x64xf32>
    %mul3A_18 = arith.mulf %mul3A_17, %add3A_14 : vector<64x32x64xf32>
    %select_n3A = arith.select %ge3A_16, %add3A_14, %mul3A_18 : vector<64x32x64xi1>, vector<64x32x64xf32>
    %reshape3A = vector.shape_cast %select_n3A : vector<64x32x64xf32> to vector<2048x64xf32>
    %get3A_19 = arith.constant 0 : index
    %get3A_20 = arith.constant 0 : index
    %get3A_21 = vector.load %arg5[%get3A_19, %get3A_20] : memref<64x64xf32, #tpu.memory_space<vmem>>, vector<64x64xf32>
    %dot_general3A_22 = arith.constant dense<0.000000e+00> : vector<2048x64xf32>
    %dot_general3A_23 = tpu.matmul %reshape3A, %get3A_21, %dot_general3A_22 {dimension_numbers = #tpu.dot_dimension_numbers<[1], [0], [0], [1], [0, 0, 1, 1], [], []>, transpose_lhs_hint = false} : vector<2048x64xf32>, vector<64x64xf32>, vector<2048x64xf32> -> vector<2048x64xf32>
    %get3A_24 = arith.constant 0 : index
    %get3A_25 = vector.load %arg6[%get3A_24] : memref<64xf32, #tpu.memory_space<vmem>>, vector<64xf32>
    %broadcast_in_dim3A_26 = vector.shape_cast %get3A_25 : vector<64xf32> to vector<1x64xf32>
    %add3A_27 = vector.broadcast %broadcast_in_dim3A_26 : vector<1x64xf32> to vector<2048x64xf32>
    %add3A_28 = arith.addf %dot_general3A_23, %add3A_27 : vector<2048x64xf32>
    %ge3A_29 = arith.constant 0.000000e+00 : f32
    %ge3A_30 = vector.broadcast %ge3A_29 : f32 to vector<2048x64xf32>
    %ge3A_31 = arith.cmpf oge, %add3A_28, %ge3A_30 : vector<2048x64xf32>
    %mul3A_32 = arith.constant 2.000000e-01 : f32
    %mul3A_33 = vector.broadcast %mul3A_32 : f32 to vector<2048x64xf32>
    %mul3A_34 = arith.mulf %mul3A_33, %add3A_28 : vector<2048x64xf32>
    %select_n3A_35 = arith.select %ge3A_31, %add3A_28, %mul3A_34 : vector<2048x64xi1>, vector<2048x64xf32>
    %get3A_36 = arith.constant 0 : index
    %get3A_37 = arith.constant 0 : index
    %get3A_38 = vector.load %arg7[%get3A_36, %get3A_37] : memref<64x128xf32, #tpu.memory_space<vmem>>, vector<64x128xf32>
    %dot_general3A_39 = arith.constant dense<0.000000e+00> : vector<2048x128xf32>
    %dot_general3A_40 = tpu.matmul %select_n3A_35, %get3A_38, %dot_general3A_39 {dimension_numbers = #tpu.dot_dimension_numbers<[1], [0], [0], [1], [0, 0, 1, 1], [], []>, transpose_lhs_hint = false} : vector<2048x64xf32>, vector<64x128xf32>, vector<2048x128xf32> -> vector<2048x128xf32>
    %get3A_41 = arith.constant 0 : index
    %get3A_42 = vector.load %arg8[%get3A_41] : memref<128xf32, #tpu.memory_space<vmem>>, vector<128xf32>
    %broadcast_in_dim3A_43 = vector.shape_cast %get3A_42 : vector<128xf32> to vector<1x128xf32>
    %add3A_44 = vector.broadcast %broadcast_in_dim3A_43 : vector<1x128xf32> to vector<2048x128xf32>
    %add3A_45 = arith.addf %dot_general3A_40, %add3A_44 : vector<2048x128xf32>
    %ge3A_46 = arith.constant 0.000000e+00 : f32
    %ge3A_47 = vector.broadcast %ge3A_46 : f32 to vector<2048x128xf32>
    %ge3A_48 = arith.cmpf oge, %add3A_45, %ge3A_47 : vector<2048x128xf32>
    %mul3A_49 = arith.constant 2.000000e-01 : f32
    %mul3A_50 = vector.broadcast %mul3A_49 : f32 to vector<2048x128xf32>
    %mul3A_51 = arith.mulf %mul3A_50, %add3A_45 : vector<2048x128xf32>
    %select_n3A_52 = arith.select %ge3A_48, %add3A_45, %mul3A_51 : vector<2048x128xi1>, vector<2048x128xf32>
    %reshape3A_53 = vector.shape_cast %select_n3A_52 : vector<2048x128xf32> to vector<64x32x128xf32>
    %reduce_max3A = arith.constant dense<0xFF800000> : vector<64x128xf32>
    %reduce_max3A_54 = vector.multi_reduction <maximumf>, %reshape3A_53, %reduce_max3A [1] : vector<64x32x128xf32> to vector<64x128xf32>
    %swap3A = arith.constant 0 : index
    %swap3A_55 = arith.constant 0 : index
    %swap3A_56 = vector.load %arg9[%swap3A, %swap3A_55] : memref<64x128xf32, #tpu.memory_space<vmem>>, vector<64x128xf32>
    tpu.vector_store %arg9[%swap3A, %swap3A_55], %reduce_max3A_54 {strides = array<i32>} : memref<64x128xf32, #tpu.memory_space<vmem>>, vector<64x128xf32>,
    return
  }
  func.func @transform_0(%arg0: i32) -> (i32, i32, i32) {
    %c0_i32 = arith.constant 0 : i32
    %c0_i32_0 = arith.constant 0 : i32
    %c0_i32_1 = arith.constant 0 : i32
    return %arg0, %c0_i32, %c0_i32_0 : i32, i32, i32
  }
  func.func @transform_1(%arg0: i32) -> (i32, i32) {
    %c0_i32 = arith.constant 0 : i32
    %c0_i32_0 = arith.constant 0 : i32
    return %arg0, %c0_i32 : i32, i32
  }
  func.func @transform_2(%arg0: i32) -> (i32, i32) {
    %c0_i32 = arith.constant 0 : i32
    %c0_i32_0 = arith.constant 0 : i32
    %c0_i32_1 = arith.constant 0 : i32
    return %c0_i32, %c0_i32_0 : i32, i32
  }
  func.func @transform_3(%arg0: i32) -> i32 {
    %c0_i32 = arith.constant 0 : i32
    %c0_i32_0 = arith.constant 0 : i32
    return %c0_i32 : i32
  }
  func.func @transform_4(%arg0: i32) -> (i32, i32) {
    %c0_i32 = arith.constant 0 : i32
    %c0_i32_0 = arith.constant 0 : i32
    %c0_i32_1 = arith.constant 0 : i32
    return %c0_i32, %c0_i32_0 : i32, i32
  }
  func.func @transform_5(%arg0: i32) -> i32 {
    %c0_i32 = arith.constant 0 : i32
    %c0_i32_0 = arith.constant 0 : i32
    return %c0_i32 : i32
  }
  func.func @transform_6(%arg0: i32) -> (i32, i32) {
    %c0_i32 = arith.constant 0 : i32
    %c0_i32_0 = arith.constant 0 : i32
    %c0_i32_1 = arith.constant 0 : i32
    return %c0_i32, %c0_i32_0 : i32, i32
  }
  func.func @transform_7(%arg0: i32) -> i32 {
    %c0_i32 = arith.constant 0 : i32
    %c0_i32_0 = arith.constant 0 : i32
    return %c0_i32 : i32
  }
  func.func @transform_8(%arg0: i32) -> (i32, i32) {
    %c0_i32 = arith.constant 0 : i32
    %c0_i32_0 = arith.constant 0 : i32
    return %arg0, %c0_i32 : i32, i32
  }
}

</mosaic_0001>

<sc_bundles>
// kernel: kernel.7.cloned.1.call-start
scs
__scs_entry_jumppad:
0x0: {  	(pc) =	sbr.rel $0x88, $3  }
0x1: {  	(tag) =	ssettag $0x0;
	lr =	simm.s32 $0x1  }
0x2: {  	[smem:$0x3F99] =	sst lr;
	_ =	strace $0xD0000000  }
0x3: {  	_ = 	snop  }
0x4: {  	_ = 	snop  }
0x5: {  	_ = 	snop  }
0x6: {  	_ = 	snop  }
0x7: {  	_ = 	snop  }
__scs_overlays_trampoline_lowered:
0x8: {  	[smem:$0x3FA8] =	sst s0  }
0x9: {  	[smem:$0x3FA9] =	sst s1  }
0xa: {  	[smem:$0x3FAA] =	sst s2  }
0xb: {  	[smem:$0x3FAB] =	sst s3  }
0xc: {  	[smem:$0x3FAC] =	sst s4  }
0xd: {  	[smem:$0x3FAD] =	sst s5  }
0xe: {  	[smem:$0x3FAE] =	sst s6  }
0xf: {  	[smem:$0x3FAF] =	sst s7  }
0x10: {  	[smem:$0x3FB0] =	sst s8  }
0x11: {  	[smem:$0x3FB1] =	sst s9;
	s0 =	simm.s32 @!p0 $0x0  }
0x12: {  	s1 =	sld [smem:$0x3F97];
	s0 =	simm.s32 @p0 $0x1  }
0x13: {  	[smem:$0x3FB2] =	sst s0;
	s0 =	simm.s32 @!p1 $0x0  }
0x14: {  	s2 =	sld [smem:$0x3F96];
	s0 =	simm.s32 @p1 $0x1  }
0x15: {  	[smem:$0x3FB3] =	sst s0;
	s0 =	simm.s32 @!p2 $0x0  }
0x16: {  	s3 =	sld [smem:$0x3FDB];
	s0 =	simm.s32 @p2 $0x1  }
0x17: {  	s4 =	simm.s32 $0x1BF5;
	[smem:$0x3FB5] =	sst s0  }
0x18: {  	s0 =	sld [smem:$0x3F98];
	_ =	swait.ge [sflag:s4], $0x0  }
0x19: {  	s7 =	sld [smem:$0x3F99]  }
0x1a: {  	s8 =	sadd.s32 $0xFFFFE003, lr  }
0x1b: {  	s9 =	sadd.s32 $0xFFFFFEF7, lr;
	s5 =	simm.s32 $0xFFFFFFFF;
	p2 =	slt.u32 s8, $0xFFFFF086  }
0x1c: {  	p1 =	slt.u32 s9, $0xF7A;
	s5 =	simm.s32 @!p2 $0x0  }
0x1d: {  	s5 =	simm.s32 @p1 $0x1;
	p0 =	seq.s32 s7, s2  }
0x1e: {  	s7 =	smul.u32 @!p0 $0xF7A, s2;
	p2 =	seq.s32 @!p0 s5, $0x0  }
0x1f: {  	s9 =	smul.u32 $0xF7A, s1;
	s8 =	simm.s32 @!p0 $0x1BF5;
	p2 =	por !p2, p0  }
0x20: {  	[sflag:s8] =	ssyncset.s32 @!p0 $0xFFFFF086;
	s6 =	sadd.s32 @!p0 s3, s7;
	s7 =	simm.s32 @!p0 $0x108  }
0x21: {  	s3 =	sadd.s32 s3, s9;
	s6 =	sadd.s32 @!p0 $0x88, s6;
	s7 =	simm.s32 @p2 $0x1082  }
0x22: {  	[simem:s7], [sflag:s8] =	dma.local @!p0 [hbm:s6], $0xF7A  }
0x23: {  	s9 =	sor.u32 $0xD0000000, s2;
	s6 =	simm.s32 $0x108;
	_ =	swait.ge @!p0 [sflag:s8], $0x0  }
0x24: {  	s3 =	sadd.s32 $0x88, s3;
	s6 =	simm.s32 @!p1 $0x1082;
	[sflag:s4] =	ssyncset.s32 $0xFFFFF086  }
0x25: {  	[simem:s6], [sflag:s4] =	dma.local [hbm:s3], $0xF7A  }
0x26: {  	[smem:$0x3F99] =	sst s1;
	(tag) =	ssettag s2;
	_ =	strace s9  }
0x27: {  	s1 =	sld [smem:$0x3FA9]  }
0x28: {  	s2 =	sld [smem:$0x3FAA]  }
0x29: {  	s4 =	sld [smem:$0x3FAC]  }
0x2a: {  	p0 =	seq.s32 s5, $0x0;
	s5 =	sld [smem:$0x3FAD]  }
0x2b: {  	s6 =	sld [smem:$0x3FAE]  }
0x2c: {  	s7 =	sld [smem:$0x3FAF]  }
0x2d: {  	s3 =	simm.s32 $0x108;
	s8 =	sld [smem:$0x3FB0]  }
0x2e: {  	s3 =	simm.s32 @!p0 $0x1082;
	s9 =	sld [smem:$0x3FB1]  }
0x2f: {  	lr =	sadd.s32 s0, s3;
	s0 =	sld [smem:$0x3FA8]  }
0x30: {  	s3 =	sld [smem:$0x3FAB]  }
0x31: {  	[smem:$0x3FB4] =	sst s10  }
0x32: {  	s10 =	sld [smem:$0x3FB2];
	_ =	sdelay $0x3  }
0x33: {  	p0 =	seq.s32 s10, $0x1;
	s10 =	sld [smem:$0x3FB4];
	_ =	sdelay $0x3  }
0x34: {  	[smem:$0x3FB4] =	sst s10  }
0x35: {  	s10 =	sld [smem:$0x3FB3];
	_ =	sdelay $0x3  }
0x36: {  	p1 =	seq.s32 s10, $0x1;
	s10 =	sld [smem:$0x3FB4];
	_ =	sdelay $0x3  }
0x37: {  	[smem:$0x3FB4] =	sst s10  }
0x38: {  	s10 =	sld [smem:$0x3FB5]  }
0x39: {  	_ = 	snop;
	(pc) =	sbr.ind lr, $3  }
0x3a: {  	_ = 	snop  }
0x3b: {  	_ = 	snop  }
0x3c: {  	p2 =	seq.s32 s10, $0x1;
	s10 =	sld [smem:$0x3FB4]  }
0x3d: {  	_ =	shalt  }
0x3e: {  	_ =	shalt  }
0x3f: {  	_ =	shalt  }
0x40: {  	_ =	shalt  }
0x41: {  	_ =	shalt  }
0x42: {  	_ =	shalt  }
0x43: {  	_ =	shalt  }
0x44: {  	_ =	shalt  }
0x45: {  	_ =	shalt  }
0x46: {  	_ =	shalt  }
0x47: {  	_ =	shalt  }
0x48: {  	_ =	shalt  }
0x49: {  	_ =	shalt  }
0x4a: {  	_ =	shalt  }
0x4b: {  	_ =	shalt  }
0x4c: {  	_ =	shalt  }
0x4d: {  	_ =	shalt  }
0x4e: {  	_ =	shalt  }
0x4f: {  	_ =	shalt  }
0x50: {  	_ =	shalt  }
0x51: {  	_ =	shalt  }
0x52: {  	_ =	shalt  }
0x53: {  	_ =	shalt  }
0x54: {  	_ =	shalt  }
0x55: {  	_ =	shalt  }
0x56: {  	_ =	shalt  }
0x57: {  	_ =	shalt  }
0x58: {  	_ =	shalt  }
0x59: {  	_ =	shalt  }
0x5a: {  	_ =	shalt  }
0x5b: {  	_ =	shalt  }
0x5c: {  	_ =	shalt  }
0x5d: {  	_ =	shalt  }
0x5e: {  	_ =	shalt  }
0x5f: {  	_ =	shalt  }
0x60: {  	_ =	shalt  }
0x61: {  	_ =	shalt  }
0x62: {  	_ =	shalt  }
0x63: {  	_ =	shalt  }
0x64: {  	_ =	shalt  }
0x65: {  	_ =	shalt  }
0x66: {  	_ =	shalt  }
0x67: {  	_ =	shalt  }
0x68: {  	_ =	shalt  }
0x69: {  	_ =	shalt  }
0x6a: {  	_ =	shalt  }
0x6b: {  	_ =	shalt  }
0x6c: {  	_ =	shalt  }
0x6d: {  	_ =	shalt  }
0x6e: {  	_ =	shalt  }
0x6f: {  	_ =	shalt  }
0x70: {  	_ =	shalt  }
0x71: {  	_ =	shalt  }
0x72: {  	_ =	shalt  }
0x73: {  	_ =	shalt  }
0x74: {  	_ =	shalt  }
0x75: {  	_ =	shalt  }
0x76: {  	_ =	shalt  }
0x77: {  	_ =	shalt  }
0x78: {  	_ =	shalt  }
0x79: {  	_ =	shalt  }
0x7a: {  	_ =	shalt  }
0x7b: {  	_ =	shalt  }
0x7c: {  	_ =	shalt  }
0x7d: {  	_ =	shalt  }
0x7e: {  	_ =	shalt  }
0x7f: {  	_ =	shalt  }
0x80: {  	_ =	shalt  }
0x81: {  	_ =	shalt  }
0x82: {  	_ =	shalt  }
0x83: {  	_ =	shalt  }
0x84: {  	_ =	shalt  }
0x85: {  	_ =	shalt  }
0x86: {  	_ =	shalt  }
0x87: {  	_ =	shalt  }
.Lfunc_end0:
.L_simem_size_0:
called_computation_lowered:
.L_overlay_start_0:
0x88: {  	s2 =	sld [smem:$0x3FD9]  }
0x89: {  	s3 =	sld [smem:$0x3FFE];
	_ =	sdelay $0x1  }
0x8a: {  	s1 =	srdreg.scid  }
0x8b: {  	s0 =	sand.u32 $0x1, s1  }
0x8c: {  	s14 =	sshll.u32 s0, $0xA;
	s2 =	sadd.s32 s3, s2  }
0x8d: {  	s2 =	sadd.s32 s2, s14  }
0x8e: {  	[smem:$0x3FC0] =	sst s2  }
0x8f: {  	_ = 	snop  }
0x90: {  	s2 =	sld [smem:$0x3FD0];
	_ =	sdelay $0x2  }
0x91: {  	s15 =	simm.s32 $0xA;
	s4 =	simm.s32 $0x10  }
0x92: {  	[smem:s4], [sflag:s15] =	dma.local [hbm:s2], $0x1  }
0x93: {  	_ =	swait.eq [sflag:s15], $0x1  }
0x94: {  	[sflag:s15] =	ssyncset.done $0x0  }
0x95: {  	[sflag:s15] =	ssyncadd.s32 $0xFFFFFFFF  }
0x96: {  	s16 =	sld [smem:$0x11];
	(tm) =	ssettm $0x1  }
0x97: {  	s17 =	sld [smem:$0x3FFB];
	_ =	sdelay $0x3  }
0x98: {  	_ =	strace s17  }
0x99: {  	s3 =	sld [smem:$0x3FFC];
	_ =	sdelay $0x3  }
0x9a: {  	_ =	strace s3  }
0x9b: {  	s3 =	sld [smem:$0x3FFD];
	_ =	sdelay $0x3  }
0x9c: {  	_ =	strace s3  }
0x9d: {  	_ =	strace $0x8FFFFFFF  }
0x9e: {  	s18 =	sld [smem:$0x3FDB];
	_ =	sdelay $0x1  }
0x9f: {  	s19 =	simm.s32 $_scs_section_size  }
0xa0: {  	s5 =	simm.s32 $_size__tile_overlayer_lowered;
	s6 =	simm.s32 $_tile_overlayer_lowered  }
0xa1: {  	s22 =	simm.s32 $0x1BFF;
	s21 =	sshll.u32 s6, $0x1;
	s3 =	sadd.s32 s19, s18  }
0xa2: {  	s7 =	simm.s32 $0x0;
	s20 =	sshll.u32 s5, $0x1;
	s5 =	sadd.s32 s21, s3  }
0xa3: {  	[timem:s7], [sflag:s22] =	dma.local [hbm:s5], s20  }
0xa4: {  	_ =	swait.ge [sflag:s22], s20  }
0xa5: {  	s4 =	ssub.s32 $0x0, s20;
	[sflag:s22] =	ssyncset.done $0x0  }
0xa6: {  	[sflag:s22] =	ssyncadd.s32 s4;
	_ =	sdelay $0x1  }
0xa7: {  	s23 =	simm.s32 $0x1B8B  }
0xa8: {  	_ =	swait.ge [sflag:s23], $0x1  }
0xa9: {  	[sflag:s23] =	ssyncset.done $0x0  }
0xaa: {  	s25 =	simm.s32 $0x1B8E;
	s24 =	sld [smem:$0x3FFE];
	[sflag:s23] =	ssyncadd.s32 $0xFFFFFFFF  }
0xab: {  	s26 =	simm.s32 $execute0_lowered;
	[smem:$0x3FD2] =	sst s25  }
0xac: {  	s5 =	sshll.u32 s26, $0x1;
	_ =	strace $0x80000046;
	[dreg:$0x1] =	wrdreg $0xFFFFFFFF  }
0xad: {  	s28 =	simm.s32 $_size_execute0_lowered;
	s3 =	sadd.s32 s3, s5;
	[dreg:$0x0] =	wrdreg $0x0  }
0xae: {  	s5 =	sshll.u32 s28, $0x1;
	[dreg:$0x2] =	wrdreg s3  }
0xaf: {  	[dreg:$0x3] =	wrdreg s5  }
0xb0: {  	[dreg:$0x4] =	wrdreg $0xC0  }
0xb1: {  	_ =	task [dreg:s7], $0x5FFFF  }
0xb2: {  	[dreg:$0x1] =	wrdreg $0xFFFFFFFF  }
0xb3: {  	[dreg:$0x0] =	wrdreg $0x60  }
0xb4: {  	[dreg:$0x2] =	wrdreg s24  }
0xb5: {  	[dreg:$0x3] =	wrdreg s16  }
0xb6: {  	[dreg:$0x4] =	wrdreg $0x9  }
0xb7: {  	_ =	task.clear_ibuf [dreg:s7], $0x5FFFF;
	_ =	strace $0x90000046  }
0xb8: {  	s29 =	simm.s32 $0x9;
	_ =	strace $0x80000048  }
0xb9: {  	_ =	swait.ge [sflag:s29], $0x1  }
0xba: {  	[sflag:s29] =	ssyncadd.s32 $0xFFFFFFFF  }
0xbb: {  	_ =	strace $0x90000048  }
0xbc: {  	_ =	sfence  }
0xbd: {  	s30 =	sld [smem:$0x0];
	_ =	sdelay $0x2  }
0xbe: {  	s31 =	sshll.u32 s1, $0xD;
	s1 =	sshrl.u32 s1, $0x2  }
0xbf: {  	s3 =	sand.u32 $0x4000, s31;
	s1 =	sadd.s32 s1, s30  }
0xc0: {  	s0 =	sor.u32 s3, s0;
	s1 =	sshll.u32 s1, $0x11  }
0xc1: {  	s0 =	sor.u32 s1, s0  }
0xc2: {  	s0 =	sadd.s32 $0x8F2B, s0  }
0xc3: {  	[sflag:s0] =	ssyncadd.remote.s32 $0x1  }
0xc4: {  	_ =	sfence.sel $0xFFFF  }
0xc5: {  	[dreg:$0x0] =	wrdreg $0xFFFFFFFF;
	(pc) =	sbr.abs _section_cstart, $3  }
0xc6: {  	[dreg:$0x1] =	wrdreg $0xFFFFFFFF  }
0xc7: {  	_ =	task.clear_ibuf [dreg:s7], $0x2FFFF;
	_ =	strace $0x9FFFFFFF  }
0xc8: {  	(tm) =	ssettm $0x7FFFFFFF  }
0xc9: {  	_ =	shalt  }
tec
execute0_lowered:
.L_overlay_start_1:
0x0: {  	(tag) =	ssettag $0x1  }
0x1: {  	s3 =	rddreg [dreg:$0x0]  }
0x2: {  	s1 =	rddreg [dreg:$0x1]  }
0x3: {  	s0 =	rddreg [dreg:$0x2];
	s2 =	simm.s32 $0x0  }
0x4: {  	s4 =	srdreg.scid;
	s11 =	simm.s32 $0x80;
	s13 =	simm.s32 $0x1  }
0x5: {  	s14 =	simm.s32 $0x20;
	s15 =	simm.s32 $0x8980;
	s16 =	simm.s32 $0x8A00  }
0x6: {  	s17 =	simm.s32 $0x0;
	[smem:$0x7FF] =	sst s2;
	s7 =	sand.u32 $0x1, s4  }
0x7: {  	s4 =	sadd.s32 $0x1800, s3;
	s5 =	sadd.s32 $0x201800, s3;
	s6 =	sadd.s32 $0x241800, s3  }
.Ltmp0:
0x8: {  	s3 =	stileid.u32;
	_ =	strace $0x80000047;
	(pc) =	sbr.rel .LBB2_1-.Ltmp0, $4  }
0x9: {  	v0 =	vlaneseq.u32;
	s8 =	ssub.s32 $0x2, s7;
	s31 =	sshll.u32 s3, $0x7;
	s7 =	sshll.u32 s7, $0x6  }
0xa: {  	v3 =	vmul.u32 $0xFFFFFFFF, v0;
	s10 =	sshll.u32 s3, $0xA;
	s9 =	sshrl.u32 s8, $0x1;
	s7 =	sor.u32 s7, s31  }
0xb: {  	v2 =	vor.u32 $0x10, v0;
	s12 =	sand.u32 $0x2000, s10;
	s10 =	simm.s32 $0x2;
	s8 =	ssub.s32 s8, s9  }
0xc: {  	v3 =	vadd.s32 $0xF, v3;
	s9 =	simm.s32 $0x8100;
	v1 =	vmov s12;
	s12 =	simm.s32 $0x400;
	v4 =	vmov s7;
	s8 =	smax.u32 s8, $0x1  }
.LBB2_21:
0xd: {  	s17 =	sadd.s32 $0x1, s17  }
0xe: {  	p0 =	sne.s32 s17, s8  }
.Ltmp1:
0xf: {  	_ = 	snop;
	(pc) =	sbr.rel @!p0 .LBB2_22-.Ltmp1, $1  }
0x10: {  	_ =	sdelay $0x3  }
.LBB2_1:
.Ltmp2:
0x11: {  	(pc) =	sbr.rel .LBB2_2-.Ltmp2, $4  }
0x12: {  	[tilespmem:s9], [sflag:$0x2] =	stream.linear.gather [hbm4b:s1+s2], $0x800, $0x38;
	[tilespmem:$0x9A00] =	vst v63  }
0x13: {  	_ =	swait.ge [sflag:s10], $0x800  }
0x14: {  	[sflag:s10] =	ssyncset.done $0x0  }
0x15: {  	s18 =	simm.s32 $0x0;
	[sflag:s10] =	ssyncadd.s32 $0xFFFFF800  }
.LBB2_19:
0x16: {  	v7 =	vld [tilespmem:$0x5080]  }
0x17: {  	v8 =	vld [tilespmem:$0x5090];
	_ =	sdelay $0x3  }
0x18: {  	vm1 =	vgt.s32 v6, v2  }
0x19: {  	v7 =	vsel vm0, v7, v5;
	v9 =	vsel vm1, v8, v5  }
.LBB2_20:
0x1a: {  	v5 =	vadd.s32 v1, v7  }
0x1b: {  	[tilespmem:$0x8980] =	vst v5;
	v5 =	vadd.s32 v1, v9  }
0x1c: {  	[tilespmem:$0x8990] =	vst v5  }
0x1d: {  	[tilespmem:s16], [sflag:$0x1] =	stream.indirect.gather [hbm4b:s5+s14], $0x80, s15, s14, $0xb8;
	[tilespmem:$0x9A00] =	vst v63  }
0x1e: {  	s18 =	sadd.s32 $0x1, s18;
	_ =	swait.ge [sflag:s13], $0x1000  }
0x1f: {  	s19 =	sshll.u32 s19, $0x9;
	p0 =	sne.s32 s18, $0x40;
	[sflag:s13] =	ssyncset.done $0x0  }
.Ltmp3:
0x20: {  	s19 =	sadd.s32 s6, s19;
	[sflag:s13] =	ssyncadd.s32 $0xFFFFF000;
	(pc) =	sbr.rel @!p0 .LBB2_21-.Ltmp3, $4  }
0x21: {  	[hbm4b:s19+s2] =	stream.linear.scatter [tilespmem:s16], [sflag:$0x2], $0x1000, $0x38;
	[tilespmem:$0x9A00] =	vst v63  }
0x22: {  	_ =	swait.ge [sflag:s10], $0x1000  }
0x23: {  	[sflag:s10] =	ssyncset.done $0x0  }
0x24: {  	[sflag:s10] =	ssyncadd.s32 $0xFFFFF000  }
.LBB2_2:
0x25: {  	s19 =	sadd.s32 s7, s18;
	s20 =	sshll.u32 s18, $0x4  }
0x26: {  	s21 =	sshll.u32 s19, $0xA;
	s20 =	sand.u32 $0x70, s20  }
0x27: {  	s21 =	sand.u32 $0x1FE000, s21;
	s20 =	sadd.s32 s4, s20  }
0x28: {  	s30 =	simm.s32 $0x0;
	s20 =	sadd.s32 s21, s20  }
0x29: {  	[tilespmem:s30], [sflag:$0x2] =	stream.strided.gather [hbm4b:s20+s11], $0x2000, s12, s11, $0x38;
	[tilespmem:$0x9A00] =	vst v63  }
0x2a: {  	_ =	swait.ge [sflag:s10], $0x2000  }
0x2b: {  	[sflag:s10] =	ssyncset.done $0x0  }
0x2c: {  	[sflag:s10] =	ssyncadd.s32 $0xFFFFE000  }
0x2d: {  	v6 =	vld [tilespmem:s30+$0x0];
	_ =	sdelay $0x4  }
0x2e: {  	vm0 =	vle.f32 v6, $4.000000280e-02  }
0x2f: {  	v7 =	vmpcnt.ones.xlane vm0  }
0x30: {  	s31 =	simm.s32 $0x1000  }
0x31: {  	s22 =	sand.u32 $0x1F80, s31;
	s23 =	sand.u32 $0x60, s30;
	v5 =	vld.idx.msk [tilespmem:v4+s18+$0x8100 ss:$0x1], $0xffff;
	[tilespmem:s30+$0x2000] =	vst.msk vm0, v6;
	v6 =	vor.u32 s30, v0;
	(v2sf) =	vpush v7, $0x0  }
0x32: {  	s22 =	sor.u32 s23, s22;
	[tilespmem:s30+$0x5080] =	vst.msk vm0, v6  }
0x33: {  	v6 =	vld [tilespmem:s22+$0x0];
	_ =	sdelay $0x4  }
0x34: {  	vm0 =	vle.f32 v6, $4.000000280e-02  }
0x35: {  	v7 =	vmpcnt.ones.xlane vm0;
	[tilespmem:s30+$0x4010] =	vst.msk vm0, v6;
	v6 =	vor.u32 s31, v0  }
0x36: {  	[tilespmem:s30+$0x7090] =	vst.msk vm0, v6  }
0x37: {  	(v2sf) =	vpush v7, $0x0;
	v6 =	vld [tilespmem:s30+$0x10];
	_ =	sdelay $0x4  }
0x38: {  	vm0 =	vle.f32 v6, $4.000000280e-02;
	s24 =	spop (v2sf)  }
0x39: {  	s25 =	simm.s32 $0x10;
	v7 =	vmpcnt.ones.xlane vm0;
	s20 =	sadd.s32 $0x0, s24  }
0x3a: {  	[tilespmem:s20+$0x2000] =	vst.msk vm0, v6;
	v6 =	vor.u32 s25, v0  }
0x3b: {  	(v2sf) =	vpush v7, $0x0;
	[tilespmem:s20+$0x5080] =	vst.msk vm0, v6  }
0x3c: {  	v6 =	vld [tilespmem:s30+$0x1010];
	_ =	sdelay $0x4  }
0x3d: {  	vm0 =	vle.f32 v6, $4.000000280e-02  }
0x3e: {  	s26 =	spop (v2sf);
	v7 =	vmpcnt.ones.xlane vm0  }
0x3f: {  	s28 =	simm.s32 $0x1010;
	s24 =	sadd.s32 $0x0, s26  }
0x40: {  	[tilespmem:s24+$0x4010] =	vst.msk vm0, v6;
	v6 =	vor.u32 s28, v0;
	(v2sf) =	vpush v7, $0x0  }
0x41: {  	s21 =	simm.s32 $0x20;
	[tilespmem:s24+$0x7090] =	vst.msk vm0, v6  }
0x42: {  	v6 =	vld [tilespmem:s21+$0x0];
	_ =	sdelay $0x3  }
0x43: {  	s29 =	spop (v2sf)  }
0x44: {  	s25 =	simm.s32 $0x1020;
	vm0 =	vle.f32 v6, $4.000000280e-02;
	s22 =	sadd.s32 s20, s29  }
0x45: {  	s31 =	sand.u32 $0x60, s21;
	s30 =	sand.u32 $0x1F80, s25;
	[tilespmem:s22+$0x2000] =	vst.msk vm0, v6;
	v6 =	vor.u32 s21, v0;
	v7 =	vmpcnt.ones.xlane vm0  }
0x46: {  	s20 =	sor.u32 s31, s30;
	[tilespmem:s22+$0x5080] =	vst.msk vm0, v6  }
0x47: {  	v6 =	vld [tilespmem:s20+$0x0];
	(v2sf) =	vpush v7, $0x0;
	_ =	sdelay $0x4  }
0x48: {  	s23 =	simm.s32 $0x40;
	s20 =	simm.s32 $0x20;
	vm0 =	vle.f32 v6, $4.000000280e-02;
	s26 =	spop (v2sf)  }
.LBB2_3:
0x49: {  	p0 =	sne.s32 s23, $0xFE0  }
0x4a: {  	v7 =	vmpcnt.ones.xlane vm0;
	s24 =	sadd.s32 s24, s26;
	s26 =	smov.u32 s23;
	s23 =	sadd.s32 $0x20, s23  }
0x4b: {  	[tilespmem:s24+$0x4010] =	vst.msk vm0, v6;
	v6 =	vor.u32 s25, v0  }
0x4c: {  	[tilespmem:s24+$0x7090] =	vst.msk vm0, v6;
	(v2sf) =	vpush v7, $0x0  }
0x4d: {  	v6 =	vld [tilespmem:s21+$0x10];
	_ =	sdelay $0x4  }
0x4e: {  	vm0 =	vle.f32 v6, $4.000000280e-02;
	s25 =	spop (v2sf)  }
0x4f: {  	s22 =	sadd.s32 s22, s25;
	s25 =	sadd.s32 $0x10, s20;
	v7 =	vmpcnt.ones.xlane vm0  }
0x50: {  	[tilespmem:s22+$0x2000] =	vst.msk vm0, v6;
	v6 =	vor.u32 s25, v0  }
0x51: {  	[tilespmem:s22+$0x5080] =	vst.msk vm0, v6;
	(v2sf) =	vpush v7, $0x0  }
0x52: {  	v6 =	vld [tilespmem:s21+$0x1010];
	_ =	sdelay $0x4  }
0x53: {  	vm0 =	vle.f32 v6, $4.000000280e-02;
	s25 =	spop (v2sf)  }
0x54: {  	s24 =	sadd.s32 s24, s25;
	s25 =	sadd.s32 $0x1010, s20;
	v7 =	vmpcnt.ones.xlane vm0;
	s20 =	smov.u32 s26  }
0x55: {  	[tilespmem:s24+$0x4010] =	vst.msk vm0, v6;
	v6 =	vor.u32 s25, v0  }
0x56: {  	s21 =	sadd.s32 $0x20, s21;
	[tilespmem:s24+$0x7090] =	vst.msk vm0, v6;
	(v2sf) =	vpush v7, $0x0  }
0x57: {  	v6 =	vld [tilespmem:s21+$0x0];
	_ =	sdelay $0x4  }
0x58: {  	vm0 =	vle.f32 v6, $4.000000280e-02;
	s26 =	spop (v2sf)  }
0x59: {  	s25 =	sadd.s32 $0x1000, s20;
	v7 =	vmpcnt.ones.xlane vm0;
	s22 =	sadd.s32 s22, s26  }
0x5a: {  	s28 =	sand.u32 $0x60, s20;
	s26 =	sand.u32 $0x1F80, s25;
	[tilespmem:s22+$0x2000] =	vst.msk vm0, v6;
	v6 =	vor.u32 s20, v0  }
0x5b: {  	s26 =	sor.u32 s28, s26;
	[tilespmem:s22+$0x5080] =	vst.msk vm0, v6;
	(v2sf) =	vpush v7, $0x0  }
0x5c: {  	v6 =	vld [tilespmem:s26+$0x0]  }
.Ltmp4:
0x5d: {  	(pc) =	sbr.rel @p0 .LBB2_3-.Ltmp4, $2  }
0x5e: {  	_ =	sdelay $0x2  }
0x5f: {  	vm0 =	vle.f32 v6, $4.000000280e-02;
	s26 =	spop (v2sf)  }
0x60: {  	_ = 	snop  }
0x61: {  	s26 =	sadd.s32 s24, s26  }
0x62: {  	[tilespmem:s26+$0x4010] =	vst.msk vm0, v6;
	v6 =	vor.u32 s25, v0  }
0x63: {  	[tilespmem:s26+$0x7090] =	vst.msk vm0, v6  }
0x64: {  	v6 =	vld [tilespmem:s21+$0x10];
	_ =	sdelay $0x3  }
0x65: {  	s23 =	spop (v2sf)  }
0x66: {  	s25 =	sadd.s32 $0x10, s20;
	vm1 =	vle.f32 v6, $4.000000280e-02;
	s28 =	sadd.s32 s22, s23  }
0x67: {  	[tilespmem:s28+$0x2000] =	vst.msk vm1, v6;
	v6 =	vor.u32 s25, v0  }
0x68: {  	[tilespmem:s28+$0x5080] =	vst.msk vm1, v6  }
0x69: {  	v6 =	vld [tilespmem:s21+$0x1010];
	_ =	sdelay $0x3  }
0x6a: {  	v7 =	vmpcnt.ones.xlane vm0  }
0x6b: {  	v8 =	vmpcnt.ones.xlane vm1;
	vm15 =	vle.f32 v6, $4.000000280e-02  }
0x6c: {  	(v2sf) =	vpush v7, $0x0;
	v7 =	vmpcnt.ones.xlane vm15  }
0x6d: {  	(v2sf) =	vpush v8, $0x0  }
0x6e: {  	(v2sf) =	vpush v7, $0x0;
	_ =	sdelay $0xc  }
0x6f: {  	s29 =	spop (v2sf)  }
0x70: {  	s24 =	spop (v2sf)  }
0x71: {  	s26 =	sadd.s32 s26, s29;
	s30 =	spop (v2sf)  }
0x72: {  	s21 =	sadd.s32 s26, s30  }
0x73: {  	s31 =	sadd.s32 $0xF, s21  }
0x74: {  	s29 =	sand.u32 $0xF, s31  }
0x75: {  	s30 =	sshra.s32 s31, $0x1F;
	p1 =	slt.s32 s31, $0x1;
	p0 =	sne.s32 s29, $0x0  }
0x76: {  	s29 =	sshrl.u32 s30, $0x1C;
	p0 =	por !p1, !p0  }
0x77: {  	s25 =	sadd.s32 s29, s31;
	s29 =	simm.s32 $0x1;
	p0 =	por !p0, !p0  }
0x78: {  	s25 =	sshra.s32 s25, $0x4;
	s29 =	simm.s32 @!p0 $0x0  }
0x79: {  	s25 =	ssub.s32 s25, s29  }
0x7a: {  	p0 =	slt.s32 s25, $0x1  }
.Ltmp5:
0x7b: {  	_ = 	snop;
	(pc) =	sbr.rel @p0 .LBB2_11-.Ltmp5, $4  }
0x7c: {  	_ = 	snop  }
0x7d: {  	s31 =	sadd.s32 $0x1010, s20  }
0x7e: {  	[tilespmem:s26+$0x4010] =	vst.msk vm15, v6;
	v7 =	vor.u32 s31, v0  }
0x7f: {  	s20 =	sadd.s32 s28, s24;
	[tilespmem:s26+$0x7090] =	vst.msk vm15, v7  }
0x80: {  	p1 =	sne.s32 s25, $0x1  }
.Ltmp6:
0x81: {  	s23 =	sadd.s32 s24, s23;
	(pc) =	sbr.rel @!p1 .LBB2_6-.Ltmp6, $4  }
0x82: {  	s22 =	sadd.s32 s22, s23  }
0x83: {  	s22 =	sshll.u32 s22, $0x2  }
0x84: {  	s23 =	simm.s32 $0x2000;
	s31 =	sshra.s32 s22, $0x2  }
0x85: {  	s24 =	sadd.s32 $0xFFFFFFFF, s25;
	p0 =	por $0x0, $0x0;
	v7 =	vld [tilespmem:s23+$0x2010];
	s22 =	simm.s32 $0x5080;
	v6 =	vmov s31  }
0x86: {  	_ =	sdelay $0x3  }
0x87: {  	[tilespmem:v6+s23+$0x0 ss:$0x1] =	vst.idx.msk $0xffff, v7  }
0x88: {  	v7 =	vld [tilespmem:s22+$0x2010]  }
0x89: {  	p1 =	sne.s32 s24, $0x1  }
.Ltmp7:
0x8a: {  	_ = 	snop;
	(pc) =	sbr.rel @!p1 .LBB2_8-.Ltmp7, $3  }
0x8b: {  	_ =	sdelay $0x1  }
0x8c: {  	s23 =	simm.s32 $0x2010;
	[tilespmem:v6+s22+$0x0 ss:$0x1] =	vst.idx.msk $0xffff, v7  }
0x8d: {  	s25 =	sadd.s32 $0xFFFFFFFF, s24;
	p0 =	por $0x1, $0x1;
	s24 =	simm.s32 $0x5080;
	v7 =	vld [tilespmem:s23+$0x2010]  }
.LBB2_9:
0x8e: {  	p1 =	sne.s32 s25, $0x1;
	_ =	sdelay $0x3  }
0x8f: {  	s24 =	sadd.s32 $0x10, s24;
	[tilespmem:v6+s23+$0x0 ss:$0x1] =	vst.idx.msk $0xffff, v7  }
0x90: {  	v7 =	vld [tilespmem:s24+$0x2010];
	_ =	sdelay $0x1  }
.Ltmp8:
0x91: {  	(pc) =	sbr.rel @p1 .LBB2_9-.Ltmp8, $3  }
0x92: {  	_ =	sdelay $0x1  }
0x93: {  	s23 =	sadd.s32 $0x10, s23;
	[tilespmem:v6+s24+$0x0 ss:$0x1] =	vst.idx.msk $0xffff, v7  }
0x94: {  	s25 =	sadd.s32 $0xFFFFFFFF, s25;
	v7 =	vld [tilespmem:s23+$0x2010]  }
.LBB2_10:
0x95: {  	_ =	sdelay $0x2  }
0x96: {  	s24 =	sadd.s32 @p0 $0x10, s24  }
0x97: {  	s22 =	smov.u32 @p0 s24;
	[tilespmem:v6+s23+$0x0 ss:$0x1] =	vst.idx.msk $0xffff, v7  }
0x98: {  	v7 =	vld [tilespmem:s22+$0x2010];
	_ =	sdelay $0x4  }
0x99: {  	[tilespmem:v6+s22+$0x0 ss:$0x1] =	vst.idx.msk $0xffff, v7  }
.LBB2_11:
0x9a: {  	s20 =	sadd.s32 s20, s21  }
0x9b: {  	p0 =	slt.s32 s20, $0x21  }
.Ltmp9:
0x9c: {  	_ = 	snop;
	(pc) =	sbr.rel @p0 .LBB2_19-.Ltmp9, $3  }
0x9d: {  	_ =	sdelay $0x1  }
0x9e: {  	v6 =	vmov s20  }
0x9f: {  	v5 =	vbroadcast v5, $0x0;
	vm0 =	vgt.s32 v6, v0  }
0xa0: {  	v7 =	vld [tilespmem:$0x2000]  }
0xa1: {  	v8 =	vld [tilespmem:$0x5080]  }
0xa2: {  	v9 =	vld [tilespmem:$0x2010]  }
0xa3: {  	v10 =	vld [tilespmem:$0x5090];
	_ =	sdelay $0x3  }
0xa4: {  	vm14 =	vgt.s32 v6, v2;
	v7 =	vnsel vm0, $0x7F61B1E6, v7;
	v8 =	vsel vm0, v8, v5  }
0xa5: {  	v9 =	vnsel vm14, $0x7F61B1E6, v9;
	v10 =	vsel vm14, v10, v5;
	(xrf1) =	vsort.ascd.msk.f32 $0xffff, v7, v8  }
0xa6: {  	(xrf1) =	vsort.ascd.msk.f32 $0xffff, v9, v10;
	_ =	sdelay $0xc  }
0xa7: {  	v7, v8, _ =	vpop (xrf1)  }
0xa8: {  	v9, v10, _ =	vpop (xrf1)  }
0xa9: {  	v9 =	vperm.xlane v9, v3  }
0xaa: {  	v10 =	vperm.xlane v10, v3  }
0xab: {  	vm15 =	vle.f32 v7, v9  }
0xac: {  	v11 =	vsel vm15, v7, v9;
	v12 =	vsel vm15, v8, v10  }
0xad: {  	v7 =	vsel vm15, v9, v7;
	v8 =	vsel vm15, v10, v8;
	(xrf1) =	vsort.ascd.msk.f32 $0xffff, v11, v12  }
0xae: {  	(xrf1) =	vsort.ascd.msk.f32 $0xffff, v7, v8;
	_ =	sdelay $0x1  }
0xaf: {  	s20 =	sadd.s32 $0xF, s20  }
0xb0: {  	s21 =	sand.u32 $0xF, s20  }
0xb1: {  	s31 =	sshra.s32 s20, $0x1F;
	p1 =	slt.s32 s20, $0x0;
	p0 =	sne.s32 s21, $0x0  }
0xb2: {  	s21 =	sshrl.u32 s31, $0x1C;
	p0 =	por !p1, !p0  }
0xb3: {  	s20 =	sadd.s32 s21, s20;
	s21 =	simm.s32 $0x1;
	p0 =	por !p0, !p0  }
0xb4: {  	s20 =	sshra.s32 s20, $0x4;
	s21 =	simm.s32 @!p0 $0x0  }
0xb5: {  	s21 =	ssub.s32 s20, s21  }
0xb6: {  	p1 =	slt.s32 s21, $0x3  }
.Ltmp10:
0xb7: {  	_ = 	snop;
	(pc) =	sbr.rel @p1 .LBB2_20-.Ltmp10, $3  }
0xb8: {  	_ =	sdelay $0x1  }
0xb9: {  	v8, v7, _ =	vpop (xrf1)  }
0xba: {  	v10, v9, _ =	vpop (xrf1)  }
0xbb: {  	s21 =	simm.s32 $0xFFFFFFFF  }
0xbc: {  	s21 =	simm.s32 @!p0 $0x0  }
0xbd: {  	s20 =	sadd.s32 s21, s20  }
0xbe: {  	s21 =	sadd.s32 $0xFFFFFFFE, s20  }
0xbf: {  	p1 =	seq.s32 s21, $0x1  }
.Ltmp11:
0xc0: {  	_ = 	snop;
	(pc) =	sbr.rel @p1 .LBB2_14-.Ltmp11, $4  }
0xc1: {  	_ = 	snop  }
0xc2: {  	s31 =	simm.s32 $0x2020  }
0xc3: {  	s22 =	simm.s32 $0x50A0;
	v11 =	vld [tilespmem:s31+$0x0]  }
0xc4: {  	v12 =	vld [tilespmem:s22+$0x0];
	p0 =	por $0x0, $0x0;
	s20 =	simm.s32 $0x20;
	s22 =	sadd.s32 $0xFFFFFFFF, s21  }
0xc5: {  	_ =	sdelay $0x1  }
0xc6: {  	v13 =	vor.u32 s20, v0  }
0xc7: {  	vm0 =	vlt.s32 v13, v6  }
0xc8: {  	v11 =	vnsel vm0, $0x7F61B1E6, v11;
	v12 =	vsel vm0, v12, v5  }
0xc9: {  	(xrf1) =	vsort.ascd.msk.f32 $0xffff, v11, v12;
	_ =	sdelay $0xd  }
0xca: {  	v11, v12, _ =	vpop (xrf1)  }
0xcb: {  	v11 =	vperm.xlane v11, v3  }
0xcc: {  	v12 =	vperm.xlane v12, v3  }
0xcd: {  	vm14 =	vle.f32 v10, v11  }
0xce: {  	v13 =	vsel vm14, v10, v11;
	v14 =	vsel vm14, v9, v12  }
0xcf: {  	(xrf1) =	vsort.ascd.msk.f32 $0xffff, v13, v14;
	_ =	sdelay $0xd  }
0xd0: {  	v13, v14, _ =	vpop (xrf1)  }
0xd1: {  	v13 =	vperm.xlane v13, v3  }
0xd2: {  	v11 =	vsel vm14, v11, v10;
	v12 =	vsel vm14, v12, v9;
	v14 =	vperm.xlane v14, v3  }
0xd3: {  	(xrf1) =	vsort.ascd.msk.f32 $0xffff, v11, v12;
	vm15 =	vle.f32 v8, v13  }
0xd4: {  	v11 =	vsel vm15, v13, v8;
	v12 =	vsel vm15, v14, v7  }
0xd5: {  	v13 =	vsel vm15, v8, v13;
	v14 =	vsel vm15, v7, v14;
	(xrf1) =	vsort.ascd.msk.f32 $0xffff, v11, v12  }
0xd6: {  	(xrf1) =	vsort.ascd.msk.f32 $0xffff, v13, v14;
	_ =	sdelay $0x2  }
0xd7: {  	p1 =	seq.s32 s22, $0x1  }
.Ltmp12:
0xd8: {  	_ = 	snop;
	(pc) =	sbr.rel @p1 .LBB2_16-.Ltmp12, $4  }
0xd9: {  	_ = 	snop  }
0xda: {  	s21 =	simm.s32 $0x2030  }
0xdb: {  	s23 =	simm.s32 $0x50B0;
	v11 =	vld [tilespmem:s21+$0x0]  }
0xdc: {  	s24 =	sadd.s32 $0xFFFFFFFF, s22;
	p0 =	por $0x1, $0x1;
	s22 =	simm.s32 $0x20;
	v12 =	vld [tilespmem:s23+$0x0]  }
.LBB2_17:
0xdd: {  	p1 =	seq.s32 s24, $0x1  }
0xde: {  	s22 =	sadd.s32 $0x10, s22  }
0xdf: {  	v13 =	vor.u32 s22, v0;
	v14, v15, _ =	vpop (xrf1)  }
0xe0: {  	vm0 =	vlt.s32 v13, v6;
	v13 =	vperm.xlane v14, v3  }
0xe1: {  	v18 =	vnsel vm0, $0x7F61B1E6, v11;
	v14 =	vperm.xlane v15, v3;
	v17 =	vsel vm0, v12, v5;
	v15, v16, _ =	vpop (xrf1)  }
0xe2: {  	(xrf1) =	vsort.ascd.msk.f32 $0xffff, v18, v17;
	vm0 =	vle.f32 v15, v13;
	v11, v12, _ =	vpop (xrf1)  }
0xe3: {  	v13 =	vsel vm0, v15, v13;
	v14 =	vsel vm0, v16, v14  }
0xe4: {  	(xrf1) =	vsort.ascd.msk.f32 $0xffff, v13, v14;
	_ =	sdelay $0xb  }
0xe5: {  	v13, v14, _ =	vpop (xrf1)  }
0xe6: {  	v13 =	vperm.xlane v13, v3  }
0xe7: {  	v14 =	vperm.xlane v14, v3;
	v15, v16, _ =	vpop (xrf1)  }
0xe8: {  	vm0 =	vle.f32 v15, v13  }
0xe9: {  	v17 =	vsel vm0, v15, v13;
	v18 =	vsel vm0, v16, v14  }
0xea: {  	(xrf1) =	vsort.ascd.msk.f32 $0xffff, v17, v18;
	_ =	sdelay $0xd  }
0xeb: {  	v17, v18, _ =	vpop (xrf1)  }
0xec: {  	v17 =	vperm.xlane v17, v3  }
0xed: {  	v13 =	vsel vm0, v13, v15;
	v14 =	vsel vm0, v14, v16;
	v15 =	vperm.xlane v18, v3  }
0xee: {  	vm0 =	vle.f32 v11, v17;
	(xrf1) =	vsort.ascd.msk.f32 $0xffff, v13, v14  }
0xef: {  	v13 =	vsel vm0, v11, v17;
	v11 =	vsel vm0, v17, v11;
	v14 =	vsel vm0, v15, v12  }
0xf0: {  	v12 =	vsel vm0, v12, v15;
	(xrf1) =	vsort.ascd.msk.f32 $0xffff, v11, v14  }
0xf1: {  	(xrf1) =	vsort.ascd.msk.f32 $0xffff, v13, v12;
	_ =	sdelay $0x3  }
.Ltmp13:
0xf2: {  	(pc) =	sbr.rel @!p1 .LBB2_17-.Ltmp13, $4  }
0xf3: {  	_ = 	snop  }
0xf4: {  	s21 =	sadd.s32 $0x10, s21  }
0xf5: {  	s23 =	sadd.s32 $0x10, s23;
	v11 =	vld [tilespmem:s21+$0x0]  }
0xf6: {  	s24 =	sadd.s32 $0xFFFFFFFF, s24;
	v12 =	vld [tilespmem:s23+$0x0]  }
.LBB2_18:
0xf7: {  	s21 =	sadd.s32 @p0 $0x10, s22  }
0xf8: {  	s20 =	smov.u32 @p0 s21  }
0xf9: {  	v15 =	vor.u32 s20, v0;
	_ =	sdelay $0x1  }
0xfa: {  	v13, v14, _ =	vpop @p0 (xrf1)  }
0xfb: {  	v13 =	vperm.xlane @p0 v13, v3  }
0xfc: {  	vm0 =	vlt.s32 v15, v6;
	v6 =	vperm.xlane @p0 v14, v3;
	v14, v15, _ =	vpop @p0 (xrf1)  }
0xfd: {  	v5 =	vsel vm0, v12, v5;
	v11 =	vnsel vm0, $0x7F61B1E6, v11;
	vm0 =	vle.f32 @p0 v14, v13  }
0xfe: {  	(xrf1) =	vsort.ascd.msk.f32 $0xffff, v11, v5;
	v5 =	vsel @p0 vm0, v14, v13;
	v6 =	vsel @p0 vm0, v15, v6  }
0xff: {  	(xrf1) =	vsort.ascd.msk.f32 @p0 $0xffff, v5, v6;
	_ =	sdelay $0xb  }
0x100: {  	v5, v6, _ =	vpop @p0 (xrf1)  }
0x101: {  	v11, v63, _ =	vpop (xrf1)  }
0x102: {  	v11 =	vperm.xlane v11, v3;
	v13, v14, _ =	vpop @p0 (xrf1)  }
0x103: {  	v12 =	vperm.xlane v63, v3;
	v10 =	vpsel p0, v13, v10  }
0x104: {  	v9 =	vpsel p0, v14, v9;
	vm13 =	vle.f32 v10, v11  }
0x105: {  	v13 =	vsel vm13, v10, v11;
	v14 =	vsel vm13, v9, v12  }
0x106: {  	(xrf1) =	vsort.ascd.msk.f32 $0xffff, v13, v14;
	_ =	sdelay $0xd  }
0x107: {  	v13, v14, _ =	vpop (xrf1)  }
0x108: {  	v5 =	vpsel p0, v5, v8;
	v13 =	vperm.xlane v13, v3  }
0x109: {  	v10 =	vsel vm13, v11, v10;
	v9 =	vsel vm13, v12, v9;
	v11 =	vperm.xlane v14, v3  }
0x10a: {  	v6 =	vpsel p0, v6, v7;
	(xrf1) =	vsort.ascd.msk.f32 $0xffff, v10, v9;
	vm14 =	vle.f32 v5, v13  }
0x10b: {  	v7 =	vsel vm14, v13, v5;
	v8 =	vsel vm14, v11, v6  }
0x10c: {  	(xrf1) =	vsort.ascd.msk.f32 $0xffff, v7, v8;
	_ =	sdelay $0xb  }
0x10d: {  	v7, v8, _ =	vpop (xrf1)  }
0x10e: {  	v7 =	vperm.xlane v7, v3  }
0x10f: {  	v8 =	vperm.xlane v8, v3;
	v9, v10, _ =	vpop (xrf1)  }
0x110: {  	v5 =	vsel vm14, v5, v13;
	v6 =	vsel vm14, v6, v11;
	vm15 =	vle.f32 v9, v7  }
0x111: {  	(xrf1) =	vsort.ascd.msk.f32 $0xffff, v5, v6;
	v5 =	vsel vm15, v9, v7;
	v6 =	vsel vm15, v10, v8  }
0x112: {  	(xrf1) =	vsort.ascd.msk.f32 $0xffff, v5, v6;
	_ =	sdelay $0x9  }
.Ltmp14:
0x113: {  	_ = 	snop;
	(pc) =	sbr.rel .LBB2_20-.Ltmp14, $3  }
0x114: {  	_ =	sdelay $0x1  }
0x115: {  	v5, v7, _ =	vpop (xrf1)  }
0x116: {  	v5, v9, _ =	vpop (xrf1)  }
.LBB2_6:
.Ltmp15:
0x117: {  	(pc) =	sbr.rel .LBB2_10-.Ltmp15, $2  }
0x118: {  	_ =	sdelay $0x2  }
0x119: {  	s24 =	simm.s32 $0x5080  }
.LBB2_8:
.Ltmp16:
0x11a: {  	(pc) =	sbr.rel .LBB2_10-.Ltmp16, $2  }
0x11b: {  	_ =	sdelay $0x2  }
0x11c: {  	s24 =	simm.s32 $0x5080  }
.LBB2_14:
.Ltmp17:
0x11d: {  	(pc) =	sbr.rel .LBB2_18-.Ltmp17, $2  }
0x11e: {  	_ =	sdelay $0x2  }
0x11f: {  	s22 =	simm.s32 $0x20  }
.LBB2_16:
.Ltmp18:
0x120: {  	(pc) =	sbr.rel .LBB2_18-.Ltmp18, $2  }
0x121: {  	_ =	sdelay $0x2  }
0x122: {  	s22 =	simm.s32 $0x20  }
.LBB2_22:
0x123: {  	_ =	sfence.sel $0x180000  }
0x124: {  	[bflag:$0x0] =	sbarrier.arrive $0xFFFF  }
0x125: {  	p0 =	sne.s32 s3, $0x0;
	_ =	strace $0x90000047  }
0x126: {  	s0 =	sadd.s32 @!p0 $0x100000, s0;
	[bflag:$0x2] =	sbarrier.arrive $0xFFFF  }
0x127: {  	[sflag:s0] =	ssyncadd.tile.s32 @!p0 $0x1;
	_ =	shalt  }
.Lfunc_end2:
_tile_overlayer_lowered:
.L_overlay_start_2:
0x128: {  	(tag) =	ssettag $0x2  }
0x129: {  	s0 =	rddreg [dreg:$0x0];
	s2 =	stileid.u32  }
0x12a: {  	s1 =	rddreg [dreg:$0x1];
	p0 =	sne.s32 s2, $0x0  }
0x12b: {  	s3 =	rddreg [dreg:$0x2];
	[bflag:$0x3] =	sbarrier.arrive $0xFFFF;
	s2 =	simm.s32 @!p0 $0x1C02  }
0x12c: {  	[timem:s3], [sflag:s2] =	dma.local @!p0 [hbm:s0], s1  }
0x12d: {  	s0 =	simm.s32 @!p0 $0x2  }
0x12e: {  	_ =	swait.ge @!p0 [sflag:s0], s1  }
0x12f: {  	s1 =	ssub.s32 @!p0 $0x0, s1;
	[sflag:s0] =	ssyncset.done @!p0 $0x0  }
0x130: {  	[sflag:s0] =	ssyncadd.s32 @!p0 s1  }
0x131: {  	[bflag:$0x3] =	sbarrier.arrive $0xFFFF  }
0x132: {  	_ =	shalt  }

</sc_bundles>
